<compile_context>
chip_gen: v7x
topology: tpu7x:2x2x1
jax: 0.10.2.dev20260603
libtpu: 0.0.44.dev20260713+nightly
codegen_flags: <defaults>
</compile_context>

<pallas_src>
import functools

import jax
import jax.numpy as jnp
from jax import lax
from jax.experimental import pallas as pl
from jax.experimental.pallas import tpu as pltpu
from jax.experimental.pallas import tpu_sc as plsc

GRID = 32
P = 16
L = GRID * GRID
LEN_KEEP = 256
NCHUNK = L // 16

IN_BLOCK = tuple((c % 2 == 0) and (16 <= c < 48) for c in range(NCHUNK))
N_IB_BEFORE = tuple(sum(IN_BLOCK[:c]) for c in range(NCHUNK))

_MESH = plsc.VectorSubcoreMesh(core_axis_name="c", subcore_axis_name="s")


@functools.partial(
    pl.kernel,
    out_type=jax.ShapeDtypeStruct((512, 512), jnp.float32),
    mesh=_MESH,
    compiler_params=pltpu.CompilerParams(needs_layout_passes=False),
    scratch_types=[
        pltpu.VMEM((P, 512), jnp.float32),
        pltpu.VMEM((P, 512), jnp.float32),
        pltpu.VMEM((512,), jnp.float32),
        pltpu.VMEM((2 * GRID,), jnp.float32),
        pltpu.VMEM((L,), jnp.float32),
        pltpu.VMEM((L,), jnp.float32),
        pltpu.VMEM((NCHUNK,), jnp.float32),
        pltpu.VMEM((32,), jnp.float32),
        pltpu.VMEM((L,), jnp.float32),
        pltpu.VMEM_SHARED((L,), jnp.float32),
        pltpu.SemaphoreType.DMA,
        pltpu.SemaphoreType.DMA,
    ],
)
def _inverse_block_mask(img_hbm, out_hbm, slab_a, slab_b, col_v, ps2_v,
                        ps_all_v, sel_v, carry_v, pref_v, keep_v, ps_shared,
                        sem_a, sem_b):
    sid = lax.axis_index("s")
    cid = lax.axis_index("c")

    iota = lax.iota(jnp.int32, 16)
    zeros_i = jnp.zeros((16,), jnp.int32)

    cp_a = pltpu.async_copy(img_hbm.at[pl.ds((sid * 2) * P, P)], slab_a, sem_a)
    cp_b = pltpu.async_copy(img_hbm.at[pl.ds((sid * 2 + 1) * P, P)], slab_b, sem_b)
    for t, (slab_v, cp) in enumerate(((slab_a, cp_a), (slab_b, cp_b))):
        cp.wait()

        def col_body(c, carry, slab_v=slab_v):
            acc = slab_v[0, pl.ds(c * 16, 16)]
            for r in range(1, P):
                acc = acc + slab_v[r, pl.ds(c * 16, 16)]
            col_v[pl.ds(c * 16, 16)] = acc
            return carry

        lax.fori_loop(0, GRID, col_body, 0, unroll=False)

        for h in range(2):
            def ps_body(j, acc, h=h):
                return acc + plsc.load_gather(
                    col_v, [iota * 16 + (h * 256 + j)])
            ps = lax.fori_loop(0, 16, ps_body, jnp.zeros((16,), jnp.float32),
                               unroll=False)
            ps2_v[pl.ds(t * 32 + h * 16, 16)] = ps
    pltpu.sync_copy(ps2_v, ps_shared.at[pl.ds(sid * 64, 64)])
    plsc.subcore_barrier()
    pltpu.sync_copy(ps_shared, ps_all_v)

    def sel_body(c, carry):
        v = ps_all_v[pl.ds(c * 16, 16)]
        cvec = zeros_i + c
        inb = (((cvec % 2) == 0) & (cvec >= 16) & (cvec < 48))
        sel = ((v > 0.0) & inb).astype(jnp.float32)
        sel_v[pl.ds(c * 16, 16)] = sel
        return carry

    lax.fori_loop(0, NCHUNK, sel_body, 0, unroll=False)

    def cnt_body(j, acc):
        return acc + plsc.load_gather(sel_v, [(iota * 2 + 16) * 16 + j])
    count_vec = lax.fori_loop(0, 16, cnt_body, jnp.zeros((16,), jnp.float32),
                              unroll=False)
    thresh = jnp.float32(LEN_KEEP) - jnp.sum(count_vec)

    incl = jnp.cumsum(count_vec)
    pref_v[pl.ds(0, 16)] = incl - count_vec
    pref_v[pl.ds(16, 16)] = jnp.flip(incl)

    for cc in range(4):
        cvec = iota + 16 * cc
        midx = jnp.clip((cvec + 1) // 2 - 8, 0, 16)
        pg = plsc.load_gather(pref_v, [midx])
        carry_v[pl.ds(cc * 16, 16)] = \
            (iota + (16 * cc)).astype(jnp.float32) * 16.0 - pg

    def keep_body(c, carry):
        sel = sel_v[pl.ds(c * 16, 16)]
        nons = 1.0 - sel
        cum = jnp.cumsum(nons) + plsc.load_gather(carry_v, [zeros_i + c])
        keep_v[pl.ds(c * 16, 16)] = \
            sel + nons * (cum <= thresh).astype(jnp.float32)
        return carry

    lax.fori_loop(0, NCHUNK, keep_body, 0, unroll=False)

    gy_out = sid * 2 + cid
    base = gy_out * GRID

    def exp_body(c, carry):
        bvec = plsc.load_gather(keep_v, [zeros_i + (base + c)])
        for r in range(P):
            slab_a[r, pl.ds(c * 16, 16)] = bvec
        return carry

    lax.fori_loop(0, GRID, exp_body, 0, unroll=False)
    pltpu.sync_copy(slab_a, out_hbm.at[pl.ds(gy_out * P, P)])


def kernel(img_mask):
    return _inverse_block_mask(img_mask)

# --- scband reference (transcript-rebuilt; emitter-appended) ---
"""Pipeline reference for scband-inverse-block-masking-45561013076419 (READ-ONLY COPY).

The authoritative reference and input builder live on the scoring server;
editing this copy changes nothing except your own understanding.
"""

import jax, jax.numpy as jnp
import numpy as np
import math

MASK_RATIO = 0.75
IMG = 512
P = 16
ROLL = True
MIN_ASPECT = 1.0
MAX_ASPECT = None


def setup_inputs() -> dict:
    return {"img_mask": jnp.ones((IMG, IMG), dtype=jnp.float32)}


def _make_block_mask(x, y, h, w, shape, roll=True):
    H, W = shape
    top = y - h // 2
    left = x - w // 2
    y_ids = np.arange(top, top + h)
    x_ids = np.arange(left, left + w)
    if roll:
        y_ids = y_ids % H
        x_ids = x_ids % W
    else:
        y_ids = y_ids[(y_ids >= 0) & (y_ids < H)]
        x_ids = x_ids[(x_ids >= 0) & (x_ids < W)]
    y_mask = jnp.zeros(shape, dtype=jnp.float32).at[jnp.asarray(y_ids, dtype=jnp.int32), :].set(1.0)
    x_mask = jnp.zeros(shape, dtype=jnp.float32).at[:, jnp.asarray(x_ids, dtype=jnp.int32)].set(1.0)
    return y_mask * x_mask


def _np_block_count(x, y, h, w, shape, roll=True):
    H, W = shape
    top = y - h // 2
    left = x - w // 2
    y_ids = np.arange(top, top + h)
    x_ids = np.arange(left, left + w)
    if roll:
        y_ids = y_ids % H
        x_ids = x_ids % W
    else:
        y_ids = y_ids[(y_ids >= 0) & (y_ids < H)]
        x_ids = x_ids[(x_ids >= 0) & (x_ids < W)]
    y_mask = np.zeros(shape, dtype=np.float32)
    y_mask[y_ids, :] = 1.0
    x_mask = np.zeros(shape, dtype=np.float32)
    x_mask[:, x_ids] = 1.0
    return int((y_mask * x_mask).sum())


def reference(img_mask):
    H, W = img_mask.shape
    p = q = P
    grid_h = H // p
    grid_w = W // q
    # rearrange '(h p) (w q) -> (h w) (p q)'
    mask_patches = img_mask.reshape(grid_h, p, grid_w, q).transpose(0, 2, 1, 3).reshape(grid_h * grid_w, p * q)
    L, D = mask_patches.shape
    patch_mask = jnp.minimum(mask_patches.sum(axis=-1), 1.0).reshape(grid_h, grid_w)
    len_keep = int((1 - MASK_RATIO) * L)
    total_patches = grid_h * grid_w
    len_keep = min(len_keep, total_patches)
    rng = np.random.default_rng(0)
    max_aspect = MAX_ASPECT or 1.0 / MIN_ASPECT
    min_lar, max_lar = np.log(MIN_ASPECT), np.log(max_aspect)
    aspect_ratio = math.exp(rng.uniform(min_lar, max_lar))
    h = math.ceil(math.sqrt(len_keep * aspect_ratio))
    w = math.ceil(math.sqrt(len_keep / aspect_ratio))
    y = int(rng.integers(0, grid_h))
    x = int(rng.integers(0, grid_w))
    scale = 1.2
    h_, w_ = h, w
    while True:
        block_count = _np_block_count(x, y, h_, w_, (grid_h, grid_w), roll=ROLL)
        if block_count >= len_keep:
            break
        h_ = math.ceil(scale * h_)
        w_ = math.ceil(scale * w_)
    block_mask = _make_block_mask(x, y, h_, w_, (grid_h, grid_w), roll=ROLL)
    block_mask = patch_mask * block_mask
    flat = block_mask.flatten()
    idx = jnp.arange(L, dtype=jnp.int32)
    order = jnp.argsort(jnp.where(flat > 0, idx, idx + L))
    if int(rng.integers(0, 2)):
        ids_keep = order[:len_keep]
    else:
        ids_keep = order[block_count - len_keep:block_count]
    visible_mask_patches = jnp.zeros_like(mask_patches).at[ids_keep].set(1.0)
    # rearrange '(h w) (p q) -> (h p) (w q)'
    visible_mask = visible_mask_patches.reshape(grid_h, grid_w, p, q).transpose(0, 2, 1, 3).reshape(H, W)
    return visible_mask

if __name__ == "__main__":
    import jax
    _d = setup_inputs()
    print(jax.jit(kernel)(*tuple(_d.values())))

</pallas_src>

<mosaic_0001>
#map = affine_map<(d0, d1) -> (0, 0)>
module attributes {stable_mosaic.version = 14 : i64} {
  func.func @_inverse_block_mask(%arg0: i32, %arg1: i32, %arg2: memref<512x512xf32, #tpu.memory_space<hbm>>, %arg3: memref<512x512xf32, #tpu.memory_space<hbm>>, %arg4: memref<16x512xf32, #tpu.memory_space<vmem>>, %arg5: memref<16x512xf32, #tpu.memory_space<vmem>>, %arg6: memref<512xf32, #tpu.memory_space<vmem>>, %arg7: memref<64xf32, #tpu.memory_space<vmem>>, %arg8: memref<1024xf32, #tpu.memory_space<vmem>>, %arg9: memref<1024xf32, #tpu.memory_space<vmem>>, %arg10: memref<64xf32, #tpu.memory_space<vmem>>, %arg11: memref<32xf32, #tpu.memory_space<vmem>>, %arg12: memref<1024xf32, #tpu.memory_space<vmem>>, %arg13: memref<1024xf32, #tpu.memory_space<vmem_shared>>, %arg14: memref<!tpu.dma_semaphore, #tpu.memory_space<semaphore_mem>>, %arg15: memref<!tpu.dma_semaphore, #tpu.memory_space<semaphore_mem>>) attributes {dimension_semantics = [#tpu.dimension_semantics<core_parallel>, #tpu.dimension_semantics<subcore_parallel>], iteration_bounds = array<i64: 2, 16>, scalar_prefetch = 0 : i64, scratch_operands = 12 : i64, tpu.core_type = #tpu.core_type<sc_vector_subcore>, window_params = [{transform_indices = #map}, {transform_indices = #map}]} {
    %iota3A = tpu.iota {dimensions = array<i32: 0>} : vector<16xi32>
    %broadcast_in_dim3A = arith.constant 0 : i32
    %broadcast_in_dim3A_0 = vector.broadcast %broadcast_in_dim3A : i32 to vector<16xi32>
    %mul3A = arith.constant 2 : i32
    %mul3A_1 = arith.muli %arg1, %mul3A : i32
    %mul3A_2 = arith.constant 16 : i32
    %mul3A_3 = arith.muli %mul3A_1, %mul3A_2 : i32
    %dma_start3A = arith.constant 0 : i32
    %dma_start3A_4 = tpu.memref_slice %arg2[%mul3A_3, %dma_start3A] : memref<512x512xf32, #tpu.memory_space<hbm>> -> memref<16x512xf32, #tpu.memory_space<hbm>>
    %dma_start3A_5 = arith.constant 0 : i32
    %dma_start3A_6 = tpu.memref_slice %arg2[%mul3A_3, %dma_start3A_5] : memref<512x512xf32, #tpu.memory_space<hbm>> -> memref<16x512xf32, #tpu.memory_space<hbm>>
    tpu.enqueue_dma source(%dma_start3A_6 : memref<16x512xf32, #tpu.memory_space<hbm>>) target(%arg4 : memref<16x512xf32, #tpu.memory_space<vmem>>) target_semaphore(%arg14 : memref<!tpu.dma_semaphore, #tpu.memory_space<semaphore_mem>>)
    %mul3A_7 = arith.constant 2 : i32
    %mul3A_8 = arith.muli %arg1, %mul3A_7 : i32
    %add3A = arith.constant 1 : i32
    %add3A_9 = arith.addi %mul3A_8, %add3A : i32
    %mul3A_10 = arith.constant 16 : i32
    %mul3A_11 = arith.muli %add3A_9, %mul3A_10 : i32
    %dma_start3A_12 = arith.constant 0 : i32
    %dma_start3A_13 = tpu.memref_slice %arg2[%mul3A_11, %dma_start3A_12] : memref<512x512xf32, #tpu.memory_space<hbm>> -> memref<16x512xf32, #tpu.memory_space<hbm>>
    %dma_start3A_14 = arith.constant 0 : i32
    %dma_start3A_15 = tpu.memref_slice %arg2[%mul3A_11, %dma_start3A_14] : memref<512x512xf32, #tpu.memory_space<hbm>> -> memref<16x512xf32, #tpu.memory_space<hbm>>
    tpu.enqueue_dma source(%dma_start3A_15 : memref<16x512xf32, #tpu.memory_space<hbm>>) target(%arg5 : memref<16x512xf32, #tpu.memory_space<vmem>>) target_semaphore(%arg15 : memref<!tpu.dma_semaphore, #tpu.memory_space<semaphore_mem>>)
    %dma_wait3A = arith.constant 0 : i32
    %dma_wait3A_16 = tpu.memref_slice %arg2[%mul3A_3, %dma_wait3A] : memref<512x512xf32, #tpu.memory_space<hbm>> -> memref<16x512xf32, #tpu.memory_space<hbm>>
    %dma_wait3A_17 = arith.constant 0 : i32
    %dma_wait3A_18 = tpu.memref_slice %arg2[%mul3A_3, %dma_wait3A_17] : memref<512x512xf32, #tpu.memory_space<hbm>> -> memref<16x512xf32, #tpu.memory_space<hbm>>
    tpu.wait_dma2 semaphore(%arg14 : memref<!tpu.dma_semaphore, #tpu.memory_space<semaphore_mem>>) src(%dma_wait3A_18 : memref<16x512xf32, #tpu.memory_space<hbm>>) dst(%arg4 : memref<16x512xf32, #tpu.memory_space<vmem>>)
    %scan3A = arith.constant 0 : i32
    %scan3A_19 = arith.constant 0 : i32
    %scan3A_20 = arith.constant 32 : i32
    %scan3A_21 = arith.addi %scan3A_19, %scan3A_20 : i32
    %scan3A_22 = arith.constant 1 : i32
    scf.for %scan3A_340 = %scan3A_19 to %scan3A_21 step %scan3A_22  : i32 {
      %mul3A_341 = arith.constant 16 : i32
      %mul3A_342 = arith.muli %scan3A_340, %mul3A_341 : i32
      %get3A = arith.constant 0 : i32
      %get3A_343 = arith.index_cast %get3A : i32 to index
      %get3A_344 = arith.index_cast %mul3A_342 : i32 to index
      %get3A_345 = tpu.vector_load %arg4[%get3A_343, %get3A_344] {strides = array<i32>} : memref<16x512xf32, #tpu.memory_space<vmem>>, vector<16xf32>,
      %mul3A_346 = arith.constant 16 : i32
      %mul3A_347 = arith.muli %scan3A_340, %mul3A_346 : i32
      %get3A_348 = arith.constant 1 : i32
      %get3A_349 = arith.index_cast %get3A_348 : i32 to index
      %get3A_350 = arith.index_cast %mul3A_347 : i32 to index
      %get3A_351 = tpu.vector_load %arg4[%get3A_349, %get3A_350] {strides = array<i32>} : memref<16x512xf32, #tpu.memory_space<vmem>>, vector<16xf32>,
      %add3A_352 = arith.addf %get3A_345, %get3A_351 : vector<16xf32>
      %mul3A_353 = arith.constant 16 : i32
      %mul3A_354 = arith.muli %scan3A_340, %mul3A_353 : i32
      %get3A_355 = arith.constant 2 : i32
      %get3A_356 = arith.index_cast %get3A_355 : i32 to index
      %get3A_357 = arith.index_cast %mul3A_354 : i32 to index
      %get3A_358 = tpu.vector_load %arg4[%get3A_356, %get3A_357] {strides = array<i32>} : memref<16x512xf32, #tpu.memory_space<vmem>>, vector<16xf32>,
      %add3A_359 = arith.addf %add3A_352, %get3A_358 : vector<16xf32>
      %mul3A_360 = arith.constant 16 : i32
      %mul3A_361 = arith.muli %scan3A_340, %mul3A_360 : i32
      %get3A_362 = arith.constant 3 : i32
      %get3A_363 = arith.index_cast %get3A_362 : i32 to index
      %get3A_364 = arith.index_cast %mul3A_361 : i32 to index
      %get3A_365 = tpu.vector_load %arg4[%get3A_363, %get3A_364] {strides = array<i32>} : memref<16x512xf32, #tpu.memory_space<vmem>>, vector<16xf32>,
      %add3A_366 = arith.addf %add3A_359, %get3A_365 : vector<16xf32>
      %mul3A_367 = arith.constant 16 : i32
      %mul3A_368 = arith.muli %scan3A_340, %mul3A_367 : i32
      %get3A_369 = arith.constant 4 : i32
      %get3A_370 = arith.index_cast %get3A_369 : i32 to index
      %get3A_371 = arith.index_cast %mul3A_368 : i32 to index
      %get3A_372 = tpu.vector_load %arg4[%get3A_370, %get3A_371] {strides = array<i32>} : memref<16x512xf32, #tpu.memory_space<vmem>>, vector<16xf32>,
      %add3A_373 = arith.addf %add3A_366, %get3A_372 : vector<16xf32>
      %mul3A_374 = arith.constant 16 : i32
      %mul3A_375 = arith.muli %scan3A_340, %mul3A_374 : i32
      %get3A_376 = arith.constant 5 : i32
      %get3A_377 = arith.index_cast %get3A_376 : i32 to index
      %get3A_378 = arith.index_cast %mul3A_375 : i32 to index
      %get3A_379 = tpu.vector_load %arg4[%get3A_377, %get3A_378] {strides = array<i32>} : memref<16x512xf32, #tpu.memory_space<vmem>>, vector<16xf32>,
      %add3A_380 = arith.addf %add3A_373, %get3A_379 : vector<16xf32>
      %mul3A_381 = arith.constant 16 : i32
      %mul3A_382 = arith.muli %scan3A_340, %mul3A_381 : i32
      %get3A_383 = arith.constant 6 : i32
      %get3A_384 = arith.index_cast %get3A_383 : i32 to index
      %get3A_385 = arith.index_cast %mul3A_382 : i32 to index
      %get3A_386 = tpu.vector_load %arg4[%get3A_384, %get3A_385] {strides = array<i32>} : memref<16x512xf32, #tpu.memory_space<vmem>>, vector<16xf32>,
      %add3A_387 = arith.addf %add3A_380, %get3A_386 : vector<16xf32>
      %mul3A_388 = arith.constant 16 : i32
      %mul3A_389 = arith.muli %scan3A_340, %mul3A_388 : i32
      %get3A_390 = arith.constant 7 : i32
      %get3A_391 = arith.index_cast %get3A_390 : i32 to index
      %get3A_392 = arith.index_cast %mul3A_389 : i32 to index
      %get3A_393 = tpu.vector_load %arg4[%get3A_391, %get3A_392] {strides = array<i32>} : memref<16x512xf32, #tpu.memory_space<vmem>>, vector<16xf32>,
      %add3A_394 = arith.addf %add3A_387, %get3A_393 : vector<16xf32>
      %mul3A_395 = arith.constant 16 : i32
      %mul3A_396 = arith.muli %scan3A_340, %mul3A_395 : i32
      %get3A_397 = arith.constant 8 : i32
      %get3A_398 = arith.index_cast %get3A_397 : i32 to index
      %get3A_399 = arith.index_cast %mul3A_396 : i32 to index
      %get3A_400 = tpu.vector_load %arg4[%get3A_398, %get3A_399] {strides = array<i32>} : memref<16x512xf32, #tpu.memory_space<vmem>>, vector<16xf32>,
      %add3A_401 = arith.addf %add3A_394, %get3A_400 : vector<16xf32>
      %mul3A_402 = arith.constant 16 : i32
      %mul3A_403 = arith.muli %scan3A_340, %mul3A_402 : i32
      %get3A_404 = arith.constant 9 : i32
      %get3A_405 = arith.index_cast %get3A_404 : i32 to index
      %get3A_406 = arith.index_cast %mul3A_403 : i32 to index
      %get3A_407 = tpu.vector_load %arg4[%get3A_405, %get3A_406] {strides = array<i32>} : memref<16x512xf32, #tpu.memory_space<vmem>>, vector<16xf32>,
      %add3A_408 = arith.addf %add3A_401, %get3A_407 : vector<16xf32>
      %mul3A_409 = arith.constant 16 : i32
      %mul3A_410 = arith.muli %scan3A_340, %mul3A_409 : i32
      %get3A_411 = arith.constant 10 : i32
      %get3A_412 = arith.index_cast %get3A_411 : i32 to index
      %get3A_413 = arith.index_cast %mul3A_410 : i32 to index
      %get3A_414 = tpu.vector_load %arg4[%get3A_412, %get3A_413] {strides = array<i32>} : memref<16x512xf32, #tpu.memory_space<vmem>>, vector<16xf32>,
      %add3A_415 = arith.addf %add3A_408, %get3A_414 : vector<16xf32>
      %mul3A_416 = arith.constant 16 : i32
      %mul3A_417 = arith.muli %scan3A_340, %mul3A_416 : i32
      %get3A_418 = arith.constant 11 : i32
      %get3A_419 = arith.index_cast %get3A_418 : i32 to index
      %get3A_420 = arith.index_cast %mul3A_417 : i32 to index
      %get3A_421 = tpu.vector_load %arg4[%get3A_419, %get3A_420] {strides = array<i32>} : memref<16x512xf32, #tpu.memory_space<vmem>>, vector<16xf32>,
      %add3A_422 = arith.addf %add3A_415, %get3A_421 : vector<16xf32>
      %mul3A_423 = arith.constant 16 : i32
      %mul3A_424 = arith.muli %scan3A_340, %mul3A_423 : i32
      %get3A_425 = arith.constant 12 : i32
      %get3A_426 = arith.index_cast %get3A_425 : i32 to index
      %get3A_427 = arith.index_cast %mul3A_424 : i32 to index
      %get3A_428 = tpu.vector_load %arg4[%get3A_426, %get3A_427] {strides = array<i32>} : memref<16x512xf32, #tpu.memory_space<vmem>>, vector<16xf32>,
      %add3A_429 = arith.addf %add3A_422, %get3A_428 : vector<16xf32>
      %mul3A_430 = arith.constant 16 : i32
      %mul3A_431 = arith.muli %scan3A_340, %mul3A_430 : i32
      %get3A_432 = arith.constant 13 : i32
      %get3A_433 = arith.index_cast %get3A_432 : i32 to index
      %get3A_434 = arith.index_cast %mul3A_431 : i32 to index
      %get3A_435 = tpu.vector_load %arg4[%get3A_433, %get3A_434] {strides = array<i32>} : memref<16x512xf32, #tpu.memory_space<vmem>>, vector<16xf32>,
      %add3A_436 = arith.addf %add3A_429, %get3A_435 : vector<16xf32>
      %mul3A_437 = arith.constant 16 : i32
      %mul3A_438 = arith.muli %scan3A_340, %mul3A_437 : i32
      %get3A_439 = arith.constant 14 : i32
      %get3A_440 = arith.index_cast %get3A_439 : i32 to index
      %get3A_441 = arith.index_cast %mul3A_438 : i32 to index
      %get3A_442 = tpu.vector_load %arg4[%get3A_440, %get3A_441] {strides = array<i32>} : memref<16x512xf32, #tpu.memory_space<vmem>>, vector<16xf32>,
      %add3A_443 = arith.addf %add3A_436, %get3A_442 : vector<16xf32>
      %mul3A_444 = arith.constant 16 : i32
      %mul3A_445 = arith.muli %scan3A_340, %mul3A_444 : i32
      %get3A_446 = arith.constant 15 : i32
      %get3A_447 = arith.index_cast %get3A_446 : i32 to index
      %get3A_448 = arith.index_cast %mul3A_445 : i32 to index
      %get3A_449 = tpu.vector_load %arg4[%get3A_447, %get3A_448] {strides = array<i32>} : memref<16x512xf32, #tpu.memory_space<vmem>>, vector<16xf32>,
      %add3A_450 = arith.addf %add3A_443, %get3A_449 : vector<16xf32>
      %mul3A_451 = arith.constant 16 : i32
      %mul3A_452 = arith.muli %scan3A_340, %mul3A_451 : i32
      %swap3A_453 = arith.index_cast %mul3A_452 : i32 to index
      %swap3A_454 = tpu.vector_load %arg6[%swap3A_453] {strides = array<i32>} : memref<512xf32, #tpu.memory_space<vmem>>, vector<16xf32>,
      tpu.vector_store %arg6[%swap3A_453], %add3A_450 {strides = array<i32>} : memref<512xf32, #tpu.memory_space<vmem>>, vector<16xf32>,
    }
    %scan3A_23 = arith.constant 32 : i32
    %broadcast_in_dim3A_24 = arith.constant 0.000000e+00 : f32
    %broadcast_in_dim3A_25 = vector.broadcast %broadcast_in_dim3A_24 : f32 to vector<16xf32>
    %scan3A_26 = arith.constant 0 : i32
    %scan3A_27 = arith.constant 16 : i32
    %scan3A_28 = arith.addi %scan3A_26, %scan3A_27 : i32
    %scan3A_29 = arith.constant 1 : i32
    %scan3A_30 = scf.for %scan3A_340 = %scan3A_26 to %scan3A_28 step %scan3A_29 iter_args(%scan3A_341 = %broadcast_in_dim3A_25) -> (vector<16xf32>)  : i32 {
      %mul3A_342 = arith.constant 16 : i32
      %mul3A_343 = vector.broadcast %mul3A_342 : i32 to vector<16xi32>
      %mul3A_344 = arith.muli %iota3A, %mul3A_343 : vector<16xi32>
      %add3A_345 = arith.constant 0 : i32
      %add3A_346 = arith.addi %add3A_345, %scan3A_340 : i32
      %add3A_347 = vector.broadcast %add3A_346 : i32 to vector<16xi32>
      %add3A_348 = arith.addi %mul3A_344, %add3A_347 : vector<16xi32>
      %gather3A_349 = tpu.vector_load_idx %arg6[%add3A_348] : memref<512xf32, #tpu.memory_space<vmem>>[vector<16xi32>], vector<16xf32>,
      %add3A_350 = arith.addf %scan3A_341, %gather3A_349 : vector<16xf32>
      scf.yield %add3A_350 : vector<16xf32>
    }
    %scan3A_31 = arith.constant 16 : i32
    %swap3A = arith.constant 0 : index
    %swap3A_32 = tpu.vector_load %arg7[%swap3A] {strides = array<i32>} : memref<64xf32, #tpu.memory_space<vmem>>, vector<16xf32>,
    tpu.vector_store %arg7[%swap3A], %scan3A_30 {strides = array<i32>} : memref<64xf32, #tpu.memory_space<vmem>>, vector<16xf32>,
    %broadcast_in_dim3A_33 = arith.constant 0.000000e+00 : f32
    %broadcast_in_dim3A_34 = vector.broadcast %broadcast_in_dim3A_33 : f32 to vector<16xf32>
    %scan3A_35 = arith.constant 0 : i32
    %scan3A_36 = arith.constant 16 : i32
    %scan3A_37 = arith.addi %scan3A_35, %scan3A_36 : i32
    %scan3A_38 = arith.constant 1 : i32
    %scan3A_39 = scf.for %scan3A_340 = %scan3A_35 to %scan3A_37 step %scan3A_38 iter_args(%scan3A_341 = %broadcast_in_dim3A_34) -> (vector<16xf32>)  : i32 {
      %mul3A_342 = arith.constant 16 : i32
      %mul3A_343 = vector.broadcast %mul3A_342 : i32 to vector<16xi32>
      %mul3A_344 = arith.muli %iota3A, %mul3A_343 : vector<16xi32>
      %add3A_345 = arith.constant 256 : i32
      %add3A_346 = arith.addi %add3A_345, %scan3A_340 : i32
      %add3A_347 = vector.broadcast %add3A_346 : i32 to vector<16xi32>
      %add3A_348 = arith.addi %mul3A_344, %add3A_347 : vector<16xi32>
      %gather3A_349 = tpu.vector_load_idx %arg6[%add3A_348] : memref<512xf32, #tpu.memory_space<vmem>>[vector<16xi32>], vector<16xf32>,
      %add3A_350 = arith.addf %scan3A_341, %gather3A_349 : vector<16xf32>
      scf.yield %add3A_350 : vector<16xf32>
    }
    %scan3A_40 = arith.constant 16 : i32
    %swap3A_41 = arith.constant 16 : index
    %swap3A_42 = tpu.vector_load %arg7[%swap3A_41] {strides = array<i32>} : memref<64xf32, #tpu.memory_space<vmem>>, vector<16xf32>,
    tpu.vector_store %arg7[%swap3A_41], %scan3A_39 {strides = array<i32>} : memref<64xf32, #tpu.memory_space<vmem>>, vector<16xf32>,
    %dma_wait3A_43 = arith.constant 0 : i32
    %dma_wait3A_44 = tpu.memref_slice %arg2[%mul3A_11, %dma_wait3A_43] : memref<512x512xf32, #tpu.memory_space<hbm>> -> memref<16x512xf32, #tpu.memory_space<hbm>>
    %dma_wait3A_45 = arith.constant 0 : i32
    %dma_wait3A_46 = tpu.memref_slice %arg2[%mul3A_11, %dma_wait3A_45] : memref<512x512xf32, #tpu.memory_space<hbm>> -> memref<16x512xf32, #tpu.memory_space<hbm>>
    tpu.wait_dma2 semaphore(%arg15 : memref<!tpu.dma_semaphore, #tpu.memory_space<semaphore_mem>>) src(%dma_wait3A_46 : memref<16x512xf32, #tpu.memory_space<hbm>>) dst(%arg5 : memref<16x512xf32, #tpu.memory_space<vmem>>)
    %scan3A_47 = arith.constant 0 : i32
    %scan3A_48 = arith.constant 0 : i32
    %scan3A_49 = arith.constant 32 : i32
    %scan3A_50 = arith.addi %scan3A_48, %scan3A_49 : i32
    %scan3A_51 = arith.constant 1 : i32
    scf.for %scan3A_340 = %scan3A_48 to %scan3A_50 step %scan3A_51  : i32 {
      %mul3A_341 = arith.constant 16 : i32
      %mul3A_342 = arith.muli %scan3A_340, %mul3A_341 : i32
      %get3A = arith.constant 0 : i32
      %get3A_343 = arith.index_cast %get3A : i32 to index
      %get3A_344 = arith.index_cast %mul3A_342 : i32 to index
      %get3A_345 = tpu.vector_load %arg5[%get3A_343, %get3A_344] {strides = array<i32>} : memref<16x512xf32, #tpu.memory_space<vmem>>, vector<16xf32>,
      %mul3A_346 = arith.constant 16 : i32
      %mul3A_347 = arith.muli %scan3A_340, %mul3A_346 : i32
      %get3A_348 = arith.constant 1 : i32
      %get3A_349 = arith.index_cast %get3A_348 : i32 to index
      %get3A_350 = arith.index_cast %mul3A_347 : i32 to index
      %get3A_351 = tpu.vector_load %arg5[%get3A_349, %get3A_350] {strides = array<i32>} : memref<16x512xf32, #tpu.memory_space<vmem>>, vector<16xf32>,
      %add3A_352 = arith.addf %get3A_345, %get3A_351 : vector<16xf32>
      %mul3A_353 = arith.constant 16 : i32
      %mul3A_354 = arith.muli %scan3A_340, %mul3A_353 : i32
      %get3A_355 = arith.constant 2 : i32
      %get3A_356 = arith.index_cast %get3A_355 : i32 to index
      %get3A_357 = arith.index_cast %mul3A_354 : i32 to index
      %get3A_358 = tpu.vector_load %arg5[%get3A_356, %get3A_357] {strides = array<i32>} : memref<16x512xf32, #tpu.memory_space<vmem>>, vector<16xf32>,
      %add3A_359 = arith.addf %add3A_352, %get3A_358 : vector<16xf32>
      %mul3A_360 = arith.constant 16 : i32
      %mul3A_361 = arith.muli %scan3A_340, %mul3A_360 : i32
      %get3A_362 = arith.constant 3 : i32
      %get3A_363 = arith.index_cast %get3A_362 : i32 to index
      %get3A_364 = arith.index_cast %mul3A_361 : i32 to index
      %get3A_365 = tpu.vector_load %arg5[%get3A_363, %get3A_364] {strides = array<i32>} : memref<16x512xf32, #tpu.memory_space<vmem>>, vector<16xf32>,
      %add3A_366 = arith.addf %add3A_359, %get3A_365 : vector<16xf32>
      %mul3A_367 = arith.constant 16 : i32
      %mul3A_368 = arith.muli %scan3A_340, %mul3A_367 : i32
      %get3A_369 = arith.constant 4 : i32
      %get3A_370 = arith.index_cast %get3A_369 : i32 to index
      %get3A_371 = arith.index_cast %mul3A_368 : i32 to index
      %get3A_372 = tpu.vector_load %arg5[%get3A_370, %get3A_371] {strides = array<i32>} : memref<16x512xf32, #tpu.memory_space<vmem>>, vector<16xf32>,
      %add3A_373 = arith.addf %add3A_366, %get3A_372 : vector<16xf32>
      %mul3A_374 = arith.constant 16 : i32
      %mul3A_375 = arith.muli %scan3A_340, %mul3A_374 : i32
      %get3A_376 = arith.constant 5 : i32
      %get3A_377 = arith.index_cast %get3A_376 : i32 to index
      %get3A_378 = arith.index_cast %mul3A_375 : i32 to index
      %get3A_379 = tpu.vector_load %arg5[%get3A_377, %get3A_378] {strides = array<i32>} : memref<16x512xf32, #tpu.memory_space<vmem>>, vector<16xf32>,
      %add3A_380 = arith.addf %add3A_373, %get3A_379 : vector<16xf32>
      %mul3A_381 = arith.constant 16 : i32
      %mul3A_382 = arith.muli %scan3A_340, %mul3A_381 : i32
      %get3A_383 = arith.constant 6 : i32
      %get3A_384 = arith.index_cast %get3A_383 : i32 to index
      %get3A_385 = arith.index_cast %mul3A_382 : i32 to index
      %get3A_386 = tpu.vector_load %arg5[%get3A_384, %get3A_385] {strides = array<i32>} : memref<16x512xf32, #tpu.memory_space<vmem>>, vector<16xf32>,
      %add3A_387 = arith.addf %add3A_380, %get3A_386 : vector<16xf32>
      %mul3A_388 = arith.constant 16 : i32
      %mul3A_389 = arith.muli %scan3A_340, %mul3A_388 : i32
      %get3A_390 = arith.constant 7 : i32
      %get3A_391 = arith.index_cast %get3A_390 : i32 to index
      %get3A_392 = arith.index_cast %mul3A_389 : i32 to index
      %get3A_393 = tpu.vector_load %arg5[%get3A_391, %get3A_392] {strides = array<i32>} : memref<16x512xf32, #tpu.memory_space<vmem>>, vector<16xf32>,
      %add3A_394 = arith.addf %add3A_387, %get3A_393 : vector<16xf32>
      %mul3A_395 = arith.constant 16 : i32
      %mul3A_396 = arith.muli %scan3A_340, %mul3A_395 : i32
      %get3A_397 = arith.constant 8 : i32
      %get3A_398 = arith.index_cast %get3A_397 : i32 to index
      %get3A_399 = arith.index_cast %mul3A_396 : i32 to index
      %get3A_400 = tpu.vector_load %arg5[%get3A_398, %get3A_399] {strides = array<i32>} : memref<16x512xf32, #tpu.memory_space<vmem>>, vector<16xf32>,
      %add3A_401 = arith.addf %add3A_394, %get3A_400 : vector<16xf32>
      %mul3A_402 = arith.constant 16 : i32
      %mul3A_403 = arith.muli %scan3A_340, %mul3A_402 : i32
      %get3A_404 = arith.constant 9 : i32
      %get3A_405 = arith.index_cast %get3A_404 : i32 to index
      %get3A_406 = arith.index_cast %mul3A_403 : i32 to index
      %get3A_407 = tpu.vector_load %arg5[%get3A_405, %get3A_406] {strides = array<i32>} : memref<16x512xf32, #tpu.memory_space<vmem>>, vector<16xf32>,
      %add3A_408 = arith.addf %add3A_401, %get3A_407 : vector<16xf32>
      %mul3A_409 = arith.constant 16 : i32
      %mul3A_410 = arith.muli %scan3A_340, %mul3A_409 : i32
      %get3A_411 = arith.constant 10 : i32
      %get3A_412 = arith.index_cast %get3A_411 : i32 to index
      %get3A_413 = arith.index_cast %mul3A_410 : i32 to index
      %get3A_414 = tpu.vector_load %arg5[%get3A_412, %get3A_413] {strides = array<i32>} : memref<16x512xf32, #tpu.memory_space<vmem>>, vector<16xf32>,
      %add3A_415 = arith.addf %add3A_408, %get3A_414 : vector<16xf32>
      %mul3A_416 = arith.constant 16 : i32
      %mul3A_417 = arith.muli %scan3A_340, %mul3A_416 : i32
      %get3A_418 = arith.constant 11 : i32
      %get3A_419 = arith.index_cast %get3A_418 : i32 to index
      %get3A_420 = arith.index_cast %mul3A_417 : i32 to index
      %get3A_421 = tpu.vector_load %arg5[%get3A_419, %get3A_420] {strides = array<i32>} : memref<16x512xf32, #tpu.memory_space<vmem>>, vector<16xf32>,
      %add3A_422 = arith.addf %add3A_415, %get3A_421 : vector<16xf32>
      %mul3A_423 = arith.constant 16 : i32
      %mul3A_424 = arith.muli %scan3A_340, %mul3A_423 : i32
      %get3A_425 = arith.constant 12 : i32
      %get3A_426 = arith.index_cast %get3A_425 : i32 to index
      %get3A_427 = arith.index_cast %mul3A_424 : i32 to index
      %get3A_428 = tpu.vector_load %arg5[%get3A_426, %get3A_427] {strides = array<i32>} : memref<16x512xf32, #tpu.memory_space<vmem>>, vector<16xf32>,
      %add3A_429 = arith.addf %add3A_422, %get3A_428 : vector<16xf32>
      %mul3A_430 = arith.constant 16 : i32
      %mul3A_431 = arith.muli %scan3A_340, %mul3A_430 : i32
      %get3A_432 = arith.constant 13 : i32
      %get3A_433 = arith.index_cast %get3A_432 : i32 to index
      %get3A_434 = arith.index_cast %mul3A_431 : i32 to index
      %get3A_435 = tpu.vector_load %arg5[%get3A_433, %get3A_434] {strides = array<i32>} : memref<16x512xf32, #tpu.memory_space<vmem>>, vector<16xf32>,
      %add3A_436 = arith.addf %add3A_429, %get3A_435 : vector<16xf32>
      %mul3A_437 = arith.constant 16 : i32
      %mul3A_438 = arith.muli %scan3A_340, %mul3A_437 : i32
      %get3A_439 = arith.constant 14 : i32
      %get3A_440 = arith.index_cast %get3A_439 : i32 to index
      %get3A_441 = arith.index_cast %mul3A_438 : i32 to index
      %get3A_442 = tpu.vector_load %arg5[%get3A_440, %get3A_441] {strides = array<i32>} : memref<16x512xf32, #tpu.memory_space<vmem>>, vector<16xf32>,
      %add3A_443 = arith.addf %add3A_436, %get3A_442 : vector<16xf32>
      %mul3A_444 = arith.constant 16 : i32
      %mul3A_445 = arith.muli %scan3A_340, %mul3A_444 : i32
      %get3A_446 = arith.constant 15 : i32
      %get3A_447 = arith.index_cast %get3A_446 : i32 to index
      %get3A_448 = arith.index_cast %mul3A_445 : i32 to index
      %get3A_449 = tpu.vector_load %arg5[%get3A_447, %get3A_448] {strides = array<i32>} : memref<16x512xf32, #tpu.memory_space<vmem>>, vector<16xf32>,
      %add3A_450 = arith.addf %add3A_443, %get3A_449 : vector<16xf32>
      %mul3A_451 = arith.constant 16 : i32
      %mul3A_452 = arith.muli %scan3A_340, %mul3A_451 : i32
      %swap3A_453 = arith.index_cast %mul3A_452 : i32 to index
      %swap3A_454 = tpu.vector_load %arg6[%swap3A_453] {strides = array<i32>} : memref<512xf32, #tpu.memory_space<vmem>>, vector<16xf32>,
      tpu.vector_store %arg6[%swap3A_453], %add3A_450 {strides = array<i32>} : memref<512xf32, #tpu.memory_space<vmem>>, vector<16xf32>,
    }
    %scan3A_52 = arith.constant 32 : i32
    %broadcast_in_dim3A_53 = arith.constant 0.000000e+00 : f32
    %broadcast_in_dim3A_54 = vector.broadcast %broadcast_in_dim3A_53 : f32 to vector<16xf32>
    %scan3A_55 = arith.constant 0 : i32
    %scan3A_56 = arith.constant 16 : i32
    %scan3A_57 = arith.addi %scan3A_55, %scan3A_56 : i32
    %scan3A_58 = arith.constant 1 : i32
    %scan3A_59 = scf.for %scan3A_340 = %scan3A_55 to %scan3A_57 step %scan3A_58 iter_args(%scan3A_341 = %broadcast_in_dim3A_54) -> (vector<16xf32>)  : i32 {
      %mul3A_342 = arith.constant 16 : i32
      %mul3A_343 = vector.broadcast %mul3A_342 : i32 to vector<16xi32>
      %mul3A_344 = arith.muli %iota3A, %mul3A_343 : vector<16xi32>
      %add3A_345 = arith.constant 0 : i32
      %add3A_346 = arith.addi %add3A_345, %scan3A_340 : i32
      %add3A_347 = vector.broadcast %add3A_346 : i32 to vector<16xi32>
      %add3A_348 = arith.addi %mul3A_344, %add3A_347 : vector<16xi32>
      %gather3A_349 = tpu.vector_load_idx %arg6[%add3A_348] : memref<512xf32, #tpu.memory_space<vmem>>[vector<16xi32>], vector<16xf32>,
      %add3A_350 = arith.addf %scan3A_341, %gather3A_349 : vector<16xf32>
      scf.yield %add3A_350 : vector<16xf32>
    }
    %scan3A_60 = arith.constant 16 : i32
    %swap3A_61 = arith.constant 32 : index
    %swap3A_62 = tpu.vector_load %arg7[%swap3A_61] {strides = array<i32>} : memref<64xf32, #tpu.memory_space<vmem>>, vector<16xf32>,
    tpu.vector_store %arg7[%swap3A_61], %scan3A_59 {strides = array<i32>} : memref<64xf32, #tpu.memory_space<vmem>>, vector<16xf32>,
    %broadcast_in_dim3A_63 = arith.constant 0.000000e+00 : f32
    %broadcast_in_dim3A_64 = vector.broadcast %broadcast_in_dim3A_63 : f32 to vector<16xf32>
    %scan3A_65 = arith.constant 0 : i32
    %scan3A_66 = arith.constant 16 : i32
    %scan3A_67 = arith.addi %scan3A_65, %scan3A_66 : i32
    %scan3A_68 = arith.constant 1 : i32
    %scan3A_69 = scf.for %scan3A_340 = %scan3A_65 to %scan3A_67 step %scan3A_68 iter_args(%scan3A_341 = %broadcast_in_dim3A_64) -> (vector<16xf32>)  : i32 {
      %mul3A_342 = arith.constant 16 : i32
      %mul3A_343 = vector.broadcast %mul3A_342 : i32 to vector<16xi32>
      %mul3A_344 = arith.muli %iota3A, %mul3A_343 : vector<16xi32>
      %add3A_345 = arith.constant 256 : i32
      %add3A_346 = arith.addi %add3A_345, %scan3A_340 : i32
      %add3A_347 = vector.broadcast %add3A_346 : i32 to vector<16xi32>
      %add3A_348 = arith.addi %mul3A_344, %add3A_347 : vector<16xi32>
      %gather3A_349 = tpu.vector_load_idx %arg6[%add3A_348] : memref<512xf32, #tpu.memory_space<vmem>>[vector<16xi32>], vector<16xf32>,
      %add3A_350 = arith.addf %scan3A_341, %gather3A_349 : vector<16xf32>
      scf.yield %add3A_350 : vector<16xf32>
    }
    %scan3A_70 = arith.constant 16 : i32
    %swap3A_71 = arith.constant 48 : index
    %swap3A_72 = tpu.vector_load %arg7[%swap3A_71] {strides = array<i32>} : memref<64xf32, #tpu.memory_space<vmem>>, vector<16xf32>,
    tpu.vector_store %arg7[%swap3A_71], %scan3A_69 {strides = array<i32>} : memref<64xf32, #tpu.memory_space<vmem>>, vector<16xf32>,
    %mul3A_73 = arith.constant 64 : i32
    %mul3A_74 = arith.muli %arg1, %mul3A_73 : i32
    "tpu.region"() ({
      %run_scoped3A = tpu.sem_alloc : memref<!tpu.dma_semaphore, #tpu.memory_space<semaphore_mem>>
      %dma_start3A_340 = tpu.memref_slice %arg13[%mul3A_74] : memref<1024xf32, #tpu.memory_space<vmem_shared>> -> memref<64xf32, #tpu.memory_space<vmem_shared>>
      %dma_start3A_341 = tpu.memref_slice %arg13[%mul3A_74] : memref<1024xf32, #tpu.memory_space<vmem_shared>> -> memref<64xf32, #tpu.memory_space<vmem_shared>>
      tpu.enqueue_dma source(%arg7 : memref<64xf32, #tpu.memory_space<vmem>>) target(%dma_start3A_341 : memref<64xf32, #tpu.memory_space<vmem_shared>>) target_semaphore(%run_scoped3A : memref<!tpu.dma_semaphore, #tpu.memory_space<semaphore_mem>>)
      %dma_wait3A_342 = tpu.memref_slice %arg13[%mul3A_74] : memref<1024xf32, #tpu.memory_space<vmem_shared>> -> memref<64xf32, #tpu.memory_space<vmem_shared>>
      %dma_wait3A_343 = tpu.memref_slice %arg13[%mul3A_74] : memref<1024xf32, #tpu.memory_space<vmem_shared>> -> memref<64xf32, #tpu.memory_space<vmem_shared>>
      tpu.wait_dma2 semaphore(%run_scoped3A : memref<!tpu.dma_semaphore, #tpu.memory_space<semaphore_mem>>) src(%arg7 : memref<64xf32, #tpu.memory_space<vmem>>) dst(%dma_wait3A_343 : memref<64xf32, #tpu.memory_space<vmem_shared>>)
      tpu.yield
    }) : () -> ()
    %barrier3A = arith.constant 0 : index
    tpu.barrier barrier_id(%barrier3A)
    "tpu.region"() ({
      %run_scoped3A = tpu.sem_alloc : memref<!tpu.dma_semaphore, #tpu.memory_space<semaphore_mem>>
      tpu.enqueue_dma source(%arg13 : memref<1024xf32, #tpu.memory_space<vmem_shared>>) target(%arg8 : memref<1024xf32, #tpu.memory_space<vmem>>) target_semaphore(%run_scoped3A : memref<!tpu.dma_semaphore, #tpu.memory_space<semaphore_mem>>)
      tpu.wait_dma2 semaphore(%run_scoped3A : memref<!tpu.dma_semaphore, #tpu.memory_space<semaphore_mem>>) src(%arg13 : memref<1024xf32, #tpu.memory_space<vmem_shared>>) dst(%arg8 : memref<1024xf32, #tpu.memory_space<vmem>>)
      tpu.yield
    }) : () -> ()
    %scan3A_75 = arith.constant 0 : i32
    %scan3A_76 = arith.constant 0 : i32
    %scan3A_77 = arith.constant 64 : i32
    %scan3A_78 = arith.addi %scan3A_76, %scan3A_77 : i32
    %scan3A_79 = arith.constant 1 : i32
    scf.for %scan3A_340 = %scan3A_76 to %scan3A_78 step %scan3A_79  : i32 {
      %mul3A_341 = arith.constant 16 : i32
      %mul3A_342 = arith.muli %scan3A_340, %mul3A_341 : i32
      %get3A = arith.index_cast %mul3A_342 : i32 to index
      %get3A_343 = tpu.vector_load %arg8[%get3A] {strides = array<i32>} : memref<1024xf32, #tpu.memory_space<vmem>>, vector<16xf32>,
      %add3A_344 = vector.broadcast %scan3A_340 : i32 to vector<16xi32>
      %add3A_345 = arith.addi %broadcast_in_dim3A_0, %add3A_344 : vector<16xi32>
      %jit3A_346 = arith.constant 2 : i32
      %eq3A = arith.constant 0 : i32
      %eq3A_347 = arith.cmpi eq, %jit3A_346, %eq3A : i32
      %jit3A_348 = arith.constant 1 : i32
      %select_n3A_349 = arith.select %eq3A_347, %jit3A_348, %jit3A_346 : i32
      %rem3A_350 = vector.broadcast %select_n3A_349 : i32 to vector<16xi32>
      %rem3A_351 = arith.remsi %add3A_345, %rem3A_350 : vector<16xi32>
      %ne3A_352 = arith.constant 0 : i32
      %ne3A_353 = vector.broadcast %ne3A_352 : i32 to vector<16xi32>
      %ne3A_354 = arith.cmpi ne, %rem3A_351, %ne3A_353 : vector<16xi32>
      %lt3A = arith.constant 0 : i32
      %lt3A_355 = vector.broadcast %lt3A : i32 to vector<16xi32>
      %lt3A_356 = arith.cmpi slt, %rem3A_351, %lt3A_355 : vector<16xi32>
      %lt3A_357 = arith.constant 0 : i32
      %lt3A_358 = arith.cmpi slt, %select_n3A_349, %lt3A_357 : i32
      %ne3A_359 = vector.broadcast %lt3A_358 : i1 to vector<16xi1>
      %ne3A_360 = vector.broadcast %ne3A_359 : vector<16xi1> to vector<16xi1>
      %ne3A_361 = arith.xori %lt3A_356, %ne3A_360 : vector<16xi1>
      %and3A_362 = arith.andi %ne3A_361, %ne3A_354 : vector<16xi1>
      %add3A_363 = vector.broadcast %select_n3A_349 : i32 to vector<16xi32>
      %add3A_364 = arith.addi %rem3A_351, %add3A_363 : vector<16xi32>
      %select_n3A_365 = arith.select %and3A_362, %add3A_364, %rem3A_351 : vector<16xi1>, vector<16xi32>
      %eq3A_366 = arith.constant 0 : i32
      %eq3A_367 = vector.broadcast %eq3A_366 : i32 to vector<16xi32>
      %eq3A_368 = arith.cmpi eq, %select_n3A_365, %eq3A_367 : vector<16xi32>
      %ge3A = arith.constant 16 : i32
      %ge3A_369 = vector.broadcast %ge3A : i32 to vector<16xi32>
      %ge3A_370 = arith.cmpi sge, %add3A_345, %ge3A_369 : vector<16xi32>
      %and3A_371 = arith.andi %eq3A_368, %ge3A_370 : vector<16xi1>
      %lt3A_372 = arith.constant 48 : i32
      %lt3A_373 = vector.broadcast %lt3A_372 : i32 to vector<16xi32>
      %lt3A_374 = arith.cmpi slt, %add3A_345, %lt3A_373 : vector<16xi32>
      %and3A_375 = arith.andi %and3A_371, %lt3A_374 : vector<16xi1>
      %gt3A = arith.constant 0.000000e+00 : f32
      %gt3A_376 = vector.broadcast %gt3A : f32 to vector<16xf32>
      %gt3A_377 = arith.cmpf ogt, %get3A_343, %gt3A_376 : vector<16xf32>
      %and3A_378 = arith.andi %gt3A_377, %and3A_375 : vector<16xi1>
      %convert_element_type3A_379 = arith.extui %and3A_378 : vector<16xi1> to vector<16xi32>
      %convert_element_type3A_380 = arith.sitofp %convert_element_type3A_379 : vector<16xi32> to vector<16xf32>
      %mul3A_381 = arith.constant 16 : i32
      %mul3A_382 = arith.muli %scan3A_340, %mul3A_381 : i32
      %swap3A_383 = arith.index_cast %mul3A_382 : i32 to index
      %swap3A_384 = tpu.vector_load %arg9[%swap3A_383] {strides = array<i32>} : memref<1024xf32, #tpu.memory_space<vmem>>, vector<16xf32>,
      tpu.vector_store %arg9[%swap3A_383], %convert_element_type3A_380 {strides = array<i32>} : memref<1024xf32, #tpu.memory_space<vmem>>, vector<16xf32>,
    }
    %scan3A_80 = arith.constant 64 : i32
    %broadcast_in_dim3A_81 = arith.constant 0.000000e+00 : f32
    %broadcast_in_dim3A_82 = vector.broadcast %broadcast_in_dim3A_81 : f32 to vector<16xf32>
    %scan3A_83 = arith.constant 0 : i32
    %scan3A_84 = arith.constant 16 : i32
    %scan3A_85 = arith.addi %scan3A_83, %scan3A_84 : i32
    %scan3A_86 = arith.constant 1 : i32
    %scan3A_87 = scf.for %scan3A_340 = %scan3A_83 to %scan3A_85 step %scan3A_86 iter_args(%scan3A_341 = %broadcast_in_dim3A_82) -> (vector<16xf32>)  : i32 {
      %mul3A_342 = arith.constant 2 : i32
      %mul3A_343 = vector.broadcast %mul3A_342 : i32 to vector<16xi32>
      %mul3A_344 = arith.muli %iota3A, %mul3A_343 : vector<16xi32>
      %add3A_345 = arith.constant 16 : i32
      %add3A_346 = vector.broadcast %add3A_345 : i32 to vector<16xi32>
      %add3A_347 = arith.addi %mul3A_344, %add3A_346 : vector<16xi32>
      %mul3A_348 = arith.constant 16 : i32
      %mul3A_349 = vector.broadcast %mul3A_348 : i32 to vector<16xi32>
      %mul3A_350 = arith.muli %add3A_347, %mul3A_349 : vector<16xi32>
      %add3A_351 = vector.broadcast %scan3A_340 : i32 to vector<16xi32>
      %add3A_352 = arith.addi %mul3A_350, %add3A_351 : vector<16xi32>
      %gather3A_353 = tpu.vector_load_idx %arg9[%add3A_352] : memref<1024xf32, #tpu.memory_space<vmem>>[vector<16xi32>], vector<16xf32>,
      %add3A_354 = arith.addf %scan3A_341, %gather3A_353 : vector<16xf32>
      scf.yield %add3A_354 : vector<16xf32>
    }
    %scan3A_88 = arith.constant 16 : i32
    %reduce_sum3A = arith.constant true
    %reduce_sum3A_89 = vector.broadcast %reduce_sum3A : i1 to vector<16xi1>
    %reduce_sum3A_90 = tpu.scan <sum>, %scan3A_87 masked %reduce_sum3A_89 : vector<16xf32>, vector<16xi1> -> vector<16xf32>
    %reduce_sum3A_91 = vector.extract %reduce_sum3A_90[15] : f32 from vector<16xf32>
    %sub3A = arith.constant 2.560000e+02 : f32
    %sub3A_92 = arith.subf %sub3A, %reduce_sum3A_91 : f32
    %cumsum3A = arith.constant true
    %cumsum3A_93 = vector.broadcast %cumsum3A : i1 to vector<16xi1>
    %cumsum3A_94 = tpu.scan <sum>, %scan3A_87 masked %cumsum3A_93 : vector<16xf32>, vector<16xi1> -> vector<16xf32>
    %sub3A_95 = arith.subf %cumsum3A_94, %scan3A_87 : vector<16xf32>
    %swap3A_96 = arith.constant 0 : index
    %swap3A_97 = tpu.vector_load %arg11[%swap3A_96] {strides = array<i32>} : memref<32xf32, #tpu.memory_space<vmem>>, vector<16xf32>,
    tpu.vector_store %arg11[%swap3A_96], %sub3A_95 {strides = array<i32>} : memref<32xf32, #tpu.memory_space<vmem>>, vector<16xf32>,
    %rev3A = arith.constant 15 : i32
    %rev3A_98 = vector.broadcast %rev3A : i32 to vector<16xi32>
    %rev3A_99 = tpu.iota {dimensions = array<i32: 0>} : vector<16xi32>
    %rev3A_100 = arith.subi %rev3A_98, %rev3A_99 : vector<16xi32>
    %rev3A_101 = tpu.dynamic_gather %cumsum3A_94[%rev3A_100] in [0] : vector<16xf32>, vector<16xi32> -> vector<16xf32>
    %swap3A_102 = arith.constant 16 : index
    %swap3A_103 = tpu.vector_load %arg11[%swap3A_102] {strides = array<i32>} : memref<32xf32, #tpu.memory_space<vmem>>, vector<16xf32>,
    tpu.vector_store %arg11[%swap3A_102], %rev3A_101 {strides = array<i32>} : memref<32xf32, #tpu.memory_space<vmem>>, vector<16xf32>,
    %add3A_104 = arith.constant 0 : i32
    %add3A_105 = vector.broadcast %add3A_104 : i32 to vector<16xi32>
    %add3A_106 = arith.addi %iota3A, %add3A_105 : vector<16xi32>
    %add3A_107 = arith.constant 1 : i32
    %add3A_108 = vector.broadcast %add3A_107 : i32 to vector<16xi32>
    %add3A_109 = arith.addi %add3A_106, %add3A_108 : vector<16xi32>
    %jit3A = arith.constant 2 : i32
    %div3A = vector.broadcast %jit3A : i32 to vector<16xi32>
    %div3A_110 = arith.divsi %add3A_109, %div3A : vector<16xi32>
    %sign3A = arith.constant 0 : i32
    %sign3A_111 = vector.broadcast %sign3A : i32 to vector<16xi32>
    %sign3A_112 = arith.cmpi sgt, %add3A_109, %sign3A_111 : vector<16xi32>
    %sign3A_113 = arith.extui %sign3A_112 : vector<16xi1> to vector<16xi32>
    %sign3A_114 = arith.constant 0 : i32
    %sign3A_115 = vector.broadcast %sign3A_114 : i32 to vector<16xi32>
    %sign3A_116 = arith.cmpi slt, %add3A_109, %sign3A_115 : vector<16xi32>
    %sign3A_117 = arith.extui %sign3A_116 : vector<16xi1> to vector<16xi32>
    %sign3A_118 = arith.subi %sign3A_113, %sign3A_117 : vector<16xi32>
    %sign3A_119 = arith.constant 0 : i32
    %sign3A_120 = arith.cmpi sgt, %jit3A, %sign3A_119 : i32
    %sign3A_121 = arith.extui %sign3A_120 : i1 to i32
    %sign3A_122 = arith.constant 0 : i32
    %sign3A_123 = arith.cmpi slt, %jit3A, %sign3A_122 : i32
    %sign3A_124 = arith.extui %sign3A_123 : i1 to i32
    %sign3A_125 = arith.subi %sign3A_121, %sign3A_124 : i32
    %ne3A = vector.broadcast %sign3A_125 : i32 to vector<16xi32>
    %ne3A_126 = arith.cmpi ne, %sign3A_118, %ne3A : vector<16xi32>
    %rem3A = vector.broadcast %jit3A : i32 to vector<16xi32>
    %rem3A_127 = arith.remsi %add3A_109, %rem3A : vector<16xi32>
    %ne3A_128 = arith.constant 0 : i32
    %ne3A_129 = vector.broadcast %ne3A_128 : i32 to vector<16xi32>
    %ne3A_130 = arith.cmpi ne, %rem3A_127, %ne3A_129 : vector<16xi32>
    %and3A = arith.andi %ne3A_126, %ne3A_130 : vector<16xi1>
    %sub3A_131 = arith.constant 1 : i32
    %sub3A_132 = vector.broadcast %sub3A_131 : i32 to vector<16xi32>
    %sub3A_133 = arith.subi %div3A_110, %sub3A_132 : vector<16xi32>
    %select_n3A = arith.select %and3A, %sub3A_133, %div3A_110 : vector<16xi1>, vector<16xi32>
    %sub3A_134 = arith.constant 8 : i32
    %sub3A_135 = vector.broadcast %sub3A_134 : i32 to vector<16xi32>
    %sub3A_136 = arith.subi %select_n3A, %sub3A_135 : vector<16xi32>
    %jit3A_137 = arith.constant 0 : i32
    %jit3A_138 = arith.constant 16 : i32
    %max3A = vector.broadcast %jit3A_137 : i32 to vector<16xi32>
    %max3A_139 = arith.maxsi %max3A, %sub3A_136 : vector<16xi32>
    %min3A = vector.broadcast %jit3A_138 : i32 to vector<16xi32>
    %min3A_140 = arith.minsi %min3A, %max3A_139 : vector<16xi32>
    %gather3A = tpu.vector_load_idx %arg11[%min3A_140] : memref<32xf32, #tpu.memory_space<vmem>>[vector<16xi32>], vector<16xf32>,
    %add3A_141 = arith.constant 0 : i32
    %add3A_142 = vector.broadcast %add3A_141 : i32 to vector<16xi32>
    %add3A_143 = arith.addi %iota3A, %add3A_142 : vector<16xi32>
    %convert_element_type3A = arith.sitofp %add3A_143 : vector<16xi32> to vector<16xf32>
    %mul3A_144 = arith.constant 1.600000e+01 : f32
    %mul3A_145 = vector.broadcast %mul3A_144 : f32 to vector<16xf32>
    %mul3A_146 = arith.mulf %convert_element_type3A, %mul3A_145 : vector<16xf32>
    %sub3A_147 = arith.subf %mul3A_146, %gather3A : vector<16xf32>
    %swap3A_148 = arith.constant 0 : index
    %swap3A_149 = tpu.vector_load %arg10[%swap3A_148] {strides = array<i32>} : memref<64xf32, #tpu.memory_space<vmem>>, vector<16xf32>,
    tpu.vector_store %arg10[%swap3A_148], %sub3A_147 {strides = array<i32>} : memref<64xf32, #tpu.memory_space<vmem>>, vector<16xf32>,
    %add3A_150 = arith.constant 16 : i32
    %add3A_151 = vector.broadcast %add3A_150 : i32 to vector<16xi32>
    %add3A_152 = arith.addi %iota3A, %add3A_151 : vector<16xi32>
    %add3A_153 = arith.constant 1 : i32
    %add3A_154 = vector.broadcast %add3A_153 : i32 to vector<16xi32>
    %add3A_155 = arith.addi %add3A_152, %add3A_154 : vector<16xi32>
    %jit3A_156 = arith.constant 2 : i32
    %div3A_157 = vector.broadcast %jit3A_156 : i32 to vector<16xi32>
    %div3A_158 = arith.divsi %add3A_155, %div3A_157 : vector<16xi32>
    %sign3A_159 = arith.constant 0 : i32
    %sign3A_160 = vector.broadcast %sign3A_159 : i32 to vector<16xi32>
    %sign3A_161 = arith.cmpi sgt, %add3A_155, %sign3A_160 : vector<16xi32>
    %sign3A_162 = arith.extui %sign3A_161 : vector<16xi1> to vector<16xi32>
    %sign3A_163 = arith.constant 0 : i32
    %sign3A_164 = vector.broadcast %sign3A_163 : i32 to vector<16xi32>
    %sign3A_165 = arith.cmpi slt, %add3A_155, %sign3A_164 : vector<16xi32>
    %sign3A_166 = arith.extui %sign3A_165 : vector<16xi1> to vector<16xi32>
    %sign3A_167 = arith.subi %sign3A_162, %sign3A_166 : vector<16xi32>
    %sign3A_168 = arith.constant 0 : i32
    %sign3A_169 = arith.cmpi sgt, %jit3A_156, %sign3A_168 : i32
    %sign3A_170 = arith.extui %sign3A_169 : i1 to i32
    %sign3A_171 = arith.constant 0 : i32
    %sign3A_172 = arith.cmpi slt, %jit3A_156, %sign3A_171 : i32
    %sign3A_173 = arith.extui %sign3A_172 : i1 to i32
    %sign3A_174 = arith.subi %sign3A_170, %sign3A_173 : i32
    %ne3A_175 = vector.broadcast %sign3A_174 : i32 to vector<16xi32>
    %ne3A_176 = arith.cmpi ne, %sign3A_167, %ne3A_175 : vector<16xi32>
    %rem3A_177 = vector.broadcast %jit3A_156 : i32 to vector<16xi32>
    %rem3A_178 = arith.remsi %add3A_155, %rem3A_177 : vector<16xi32>
    %ne3A_179 = arith.constant 0 : i32
    %ne3A_180 = vector.broadcast %ne3A_179 : i32 to vector<16xi32>
    %ne3A_181 = arith.cmpi ne, %rem3A_178, %ne3A_180 : vector<16xi32>
    %and3A_182 = arith.andi %ne3A_176, %ne3A_181 : vector<16xi1>
    %sub3A_183 = arith.constant 1 : i32
    %sub3A_184 = vector.broadcast %sub3A_183 : i32 to vector<16xi32>
    %sub3A_185 = arith.subi %div3A_158, %sub3A_184 : vector<16xi32>
    %select_n3A_186 = arith.select %and3A_182, %sub3A_185, %div3A_158 : vector<16xi1>, vector<16xi32>
    %sub3A_187 = arith.constant 8 : i32
    %sub3A_188 = vector.broadcast %sub3A_187 : i32 to vector<16xi32>
    %sub3A_189 = arith.subi %select_n3A_186, %sub3A_188 : vector<16xi32>
    %jit3A_190 = arith.constant 0 : i32
    %jit3A_191 = arith.constant 16 : i32
    %max3A_192 = vector.broadcast %jit3A_190 : i32 to vector<16xi32>
    %max3A_193 = arith.maxsi %max3A_192, %sub3A_189 : vector<16xi32>
    %min3A_194 = vector.broadcast %jit3A_191 : i32 to vector<16xi32>
    %min3A_195 = arith.minsi %min3A_194, %max3A_193 : vector<16xi32>
    %gather3A_196 = tpu.vector_load_idx %arg11[%min3A_195] : memref<32xf32, #tpu.memory_space<vmem>>[vector<16xi32>], vector<16xf32>,
    %add3A_197 = arith.constant 16 : i32
    %add3A_198 = vector.broadcast %add3A_197 : i32 to vector<16xi32>
    %add3A_199 = arith.addi %iota3A, %add3A_198 : vector<16xi32>
    %convert_element_type3A_200 = arith.sitofp %add3A_199 : vector<16xi32> to vector<16xf32>
    %mul3A_201 = arith.constant 1.600000e+01 : f32
    %mul3A_202 = vector.broadcast %mul3A_201 : f32 to vector<16xf32>
    %mul3A_203 = arith.mulf %convert_element_type3A_200, %mul3A_202 : vector<16xf32>
    %sub3A_204 = arith.subf %mul3A_203, %gather3A_196 : vector<16xf32>
    %swap3A_205 = arith.constant 16 : index
    %swap3A_206 = tpu.vector_load %arg10[%swap3A_205] {strides = array<i32>} : memref<64xf32, #tpu.memory_space<vmem>>, vector<16xf32>,
    tpu.vector_store %arg10[%swap3A_205], %sub3A_204 {strides = array<i32>} : memref<64xf32, #tpu.memory_space<vmem>>, vector<16xf32>,
    %add3A_207 = arith.constant 32 : i32
    %add3A_208 = vector.broadcast %add3A_207 : i32 to vector<16xi32>
    %add3A_209 = arith.addi %iota3A, %add3A_208 : vector<16xi32>
    %add3A_210 = arith.constant 1 : i32
    %add3A_211 = vector.broadcast %add3A_210 : i32 to vector<16xi32>
    %add3A_212 = arith.addi %add3A_209, %add3A_211 : vector<16xi32>
    %jit3A_213 = arith.constant 2 : i32
    %div3A_214 = vector.broadcast %jit3A_213 : i32 to vector<16xi32>
    %div3A_215 = arith.divsi %add3A_212, %div3A_214 : vector<16xi32>
    %sign3A_216 = arith.constant 0 : i32
    %sign3A_217 = vector.broadcast %sign3A_216 : i32 to vector<16xi32>
    %sign3A_218 = arith.cmpi sgt, %add3A_212, %sign3A_217 : vector<16xi32>
    %sign3A_219 = arith.extui %sign3A_218 : vector<16xi1> to vector<16xi32>
    %sign3A_220 = arith.constant 0 : i32
    %sign3A_221 = vector.broadcast %sign3A_220 : i32 to vector<16xi32>
    %sign3A_222 = arith.cmpi slt, %add3A_212, %sign3A_221 : vector<16xi32>
    %sign3A_223 = arith.extui %sign3A_222 : vector<16xi1> to vector<16xi32>
    %sign3A_224 = arith.subi %sign3A_219, %sign3A_223 : vector<16xi32>
    %sign3A_225 = arith.constant 0 : i32
    %sign3A_226 = arith.cmpi sgt, %jit3A_213, %sign3A_225 : i32
    %sign3A_227 = arith.extui %sign3A_226 : i1 to i32
    %sign3A_228 = arith.constant 0 : i32
    %sign3A_229 = arith.cmpi slt, %jit3A_213, %sign3A_228 : i32
    %sign3A_230 = arith.extui %sign3A_229 : i1 to i32
    %sign3A_231 = arith.subi %sign3A_227, %sign3A_230 : i32
    %ne3A_232 = vector.broadcast %sign3A_231 : i32 to vector<16xi32>
    %ne3A_233 = arith.cmpi ne, %sign3A_224, %ne3A_232 : vector<16xi32>
    %rem3A_234 = vector.broadcast %jit3A_213 : i32 to vector<16xi32>
    %rem3A_235 = arith.remsi %add3A_212, %rem3A_234 : vector<16xi32>
    %ne3A_236 = arith.constant 0 : i32
    %ne3A_237 = vector.broadcast %ne3A_236 : i32 to vector<16xi32>
    %ne3A_238 = arith.cmpi ne, %rem3A_235, %ne3A_237 : vector<16xi32>
    %and3A_239 = arith.andi %ne3A_233, %ne3A_238 : vector<16xi1>
    %sub3A_240 = arith.constant 1 : i32
    %sub3A_241 = vector.broadcast %sub3A_240 : i32 to vector<16xi32>
    %sub3A_242 = arith.subi %div3A_215, %sub3A_241 : vector<16xi32>
    %select_n3A_243 = arith.select %and3A_239, %sub3A_242, %div3A_215 : vector<16xi1>, vector<16xi32>
    %sub3A_244 = arith.constant 8 : i32
    %sub3A_245 = vector.broadcast %sub3A_244 : i32 to vector<16xi32>
    %sub3A_246 = arith.subi %select_n3A_243, %sub3A_245 : vector<16xi32>
    %jit3A_247 = arith.constant 0 : i32
    %jit3A_248 = arith.constant 16 : i32
    %max3A_249 = vector.broadcast %jit3A_247 : i32 to vector<16xi32>
    %max3A_250 = arith.maxsi %max3A_249, %sub3A_246 : vector<16xi32>
    %min3A_251 = vector.broadcast %jit3A_248 : i32 to vector<16xi32>
    %min3A_252 = arith.minsi %min3A_251, %max3A_250 : vector<16xi32>
    %gather3A_253 = tpu.vector_load_idx %arg11[%min3A_252] : memref<32xf32, #tpu.memory_space<vmem>>[vector<16xi32>], vector<16xf32>,
    %add3A_254 = arith.constant 32 : i32
    %add3A_255 = vector.broadcast %add3A_254 : i32 to vector<16xi32>
    %add3A_256 = arith.addi %iota3A, %add3A_255 : vector<16xi32>
    %convert_element_type3A_257 = arith.sitofp %add3A_256 : vector<16xi32> to vector<16xf32>
    %mul3A_258 = arith.constant 1.600000e+01 : f32
    %mul3A_259 = vector.broadcast %mul3A_258 : f32 to vector<16xf32>
    %mul3A_260 = arith.mulf %convert_element_type3A_257, %mul3A_259 : vector<16xf32>
    %sub3A_261 = arith.subf %mul3A_260, %gather3A_253 : vector<16xf32>
    %swap3A_262 = arith.constant 32 : index
    %swap3A_263 = tpu.vector_load %arg10[%swap3A_262] {strides = array<i32>} : memref<64xf32, #tpu.memory_space<vmem>>, vector<16xf32>,
    tpu.vector_store %arg10[%swap3A_262], %sub3A_261 {strides = array<i32>} : memref<64xf32, #tpu.memory_space<vmem>>, vector<16xf32>,
    %add3A_264 = arith.constant 48 : i32
    %add3A_265 = vector.broadcast %add3A_264 : i32 to vector<16xi32>
    %add3A_266 = arith.addi %iota3A, %add3A_265 : vector<16xi32>
    %add3A_267 = arith.constant 1 : i32
    %add3A_268 = vector.broadcast %add3A_267 : i32 to vector<16xi32>
    %add3A_269 = arith.addi %add3A_266, %add3A_268 : vector<16xi32>
    %jit3A_270 = arith.constant 2 : i32
    %div3A_271 = vector.broadcast %jit3A_270 : i32 to vector<16xi32>
    %div3A_272 = arith.divsi %add3A_269, %div3A_271 : vector<16xi32>
    %sign3A_273 = arith.constant 0 : i32
    %sign3A_274 = vector.broadcast %sign3A_273 : i32 to vector<16xi32>
    %sign3A_275 = arith.cmpi sgt, %add3A_269, %sign3A_274 : vector<16xi32>
    %sign3A_276 = arith.extui %sign3A_275 : vector<16xi1> to vector<16xi32>
    %sign3A_277 = arith.constant 0 : i32
    %sign3A_278 = vector.broadcast %sign3A_277 : i32 to vector<16xi32>
    %sign3A_279 = arith.cmpi slt, %add3A_269, %sign3A_278 : vector<16xi32>
    %sign3A_280 = arith.extui %sign3A_279 : vector<16xi1> to vector<16xi32>
    %sign3A_281 = arith.subi %sign3A_276, %sign3A_280 : vector<16xi32>
    %sign3A_282 = arith.constant 0 : i32
    %sign3A_283 = arith.cmpi sgt, %jit3A_270, %sign3A_282 : i32
    %sign3A_284 = arith.extui %sign3A_283 : i1 to i32
    %sign3A_285 = arith.constant 0 : i32
    %sign3A_286 = arith.cmpi slt, %jit3A_270, %sign3A_285 : i32
    %sign3A_287 = arith.extui %sign3A_286 : i1 to i32
    %sign3A_288 = arith.subi %sign3A_284, %sign3A_287 : i32
    %ne3A_289 = vector.broadcast %sign3A_288 : i32 to vector<16xi32>
    %ne3A_290 = arith.cmpi ne, %sign3A_281, %ne3A_289 : vector<16xi32>
    %rem3A_291 = vector.broadcast %jit3A_270 : i32 to vector<16xi32>
    %rem3A_292 = arith.remsi %add3A_269, %rem3A_291 : vector<16xi32>
    %ne3A_293 = arith.constant 0 : i32
    %ne3A_294 = vector.broadcast %ne3A_293 : i32 to vector<16xi32>
    %ne3A_295 = arith.cmpi ne, %rem3A_292, %ne3A_294 : vector<16xi32>
    %and3A_296 = arith.andi %ne3A_290, %ne3A_295 : vector<16xi1>
    %sub3A_297 = arith.constant 1 : i32
    %sub3A_298 = vector.broadcast %sub3A_297 : i32 to vector<16xi32>
    %sub3A_299 = arith.subi %div3A_272, %sub3A_298 : vector<16xi32>
    %select_n3A_300 = arith.select %and3A_296, %sub3A_299, %div3A_272 : vector<16xi1>, vector<16xi32>
    %sub3A_301 = arith.constant 8 : i32
    %sub3A_302 = vector.broadcast %sub3A_301 : i32 to vector<16xi32>
    %sub3A_303 = arith.subi %select_n3A_300, %sub3A_302 : vector<16xi32>
    %jit3A_304 = arith.constant 0 : i32
    %jit3A_305 = arith.constant 16 : i32
    %max3A_306 = vector.broadcast %jit3A_304 : i32 to vector<16xi32>
    %max3A_307 = arith.maxsi %max3A_306, %sub3A_303 : vector<16xi32>
    %min3A_308 = vector.broadcast %jit3A_305 : i32 to vector<16xi32>
    %min3A_309 = arith.minsi %min3A_308, %max3A_307 : vector<16xi32>
    %gather3A_310 = tpu.vector_load_idx %arg11[%min3A_309] : memref<32xf32, #tpu.memory_space<vmem>>[vector<16xi32>], vector<16xf32>,
    %add3A_311 = arith.constant 48 : i32
    %add3A_312 = vector.broadcast %add3A_311 : i32 to vector<16xi32>
    %add3A_313 = arith.addi %iota3A, %add3A_312 : vector<16xi32>
    %convert_element_type3A_314 = arith.sitofp %add3A_313 : vector<16xi32> to vector<16xf32>
    %mul3A_315 = arith.constant 1.600000e+01 : f32
    %mul3A_316 = vector.broadcast %mul3A_315 : f32 to vector<16xf32>
    %mul3A_317 = arith.mulf %convert_element_type3A_314, %mul3A_316 : vector<16xf32>
    %sub3A_318 = arith.subf %mul3A_317, %gather3A_310 : vector<16xf32>
    %swap3A_319 = arith.constant 48 : index
    %swap3A_320 = tpu.vector_load %arg10[%swap3A_319] {strides = array<i32>} : memref<64xf32, #tpu.memory_space<vmem>>, vector<16xf32>,
    tpu.vector_store %arg10[%swap3A_319], %sub3A_318 {strides = array<i32>} : memref<64xf32, #tpu.memory_space<vmem>>, vector<16xf32>,
    %scan3A_321 = arith.constant 0 : i32
    %scan3A_322 = arith.constant 0 : i32
    %scan3A_323 = arith.constant 64 : i32
    %scan3A_324 = arith.addi %scan3A_322, %scan3A_323 : i32
    %scan3A_325 = arith.constant 1 : i32
    scf.for %scan3A_340 = %scan3A_322 to %scan3A_324 step %scan3A_325  : i32 {
      %mul3A_341 = arith.constant 16 : i32
      %mul3A_342 = arith.muli %scan3A_340, %mul3A_341 : i32
      %get3A = arith.index_cast %mul3A_342 : i32 to index
      %get3A_343 = tpu.vector_load %arg9[%get3A] {strides = array<i32>} : memref<1024xf32, #tpu.memory_space<vmem>>, vector<16xf32>,
      %sub3A_344 = arith.constant 1.000000e+00 : f32
      %sub3A_345 = vector.broadcast %sub3A_344 : f32 to vector<16xf32>
      %sub3A_346 = arith.subf %sub3A_345, %get3A_343 : vector<16xf32>
      %cumsum3A_347 = arith.constant true
      %cumsum3A_348 = vector.broadcast %cumsum3A_347 : i1 to vector<16xi1>
      %cumsum3A_349 = tpu.scan <sum>, %sub3A_346 masked %cumsum3A_348 : vector<16xf32>, vector<16xi1> -> vector<16xf32>
      %add3A_350 = vector.broadcast %scan3A_340 : i32 to vector<16xi32>
      %add3A_351 = arith.addi %broadcast_in_dim3A_0, %add3A_350 : vector<16xi32>
      %gather3A_352 = tpu.vector_load_idx %arg10[%add3A_351] : memref<64xf32, #tpu.memory_space<vmem>>[vector<16xi32>], vector<16xf32>,
      %add3A_353 = arith.addf %cumsum3A_349, %gather3A_352 : vector<16xf32>
      %le3A = vector.broadcast %sub3A_92 : f32 to vector<16xf32>
      %le3A_354 = arith.cmpf ole, %add3A_353, %le3A : vector<16xf32>
      %convert_element_type3A_355 = arith.extui %le3A_354 : vector<16xi1> to vector<16xi32>
      %convert_element_type3A_356 = arith.sitofp %convert_element_type3A_355 : vector<16xi32> to vector<16xf32>
      %mul3A_357 = arith.mulf %sub3A_346, %convert_element_type3A_356 : vector<16xf32>
      %add3A_358 = arith.addf %get3A_343, %mul3A_357 : vector<16xf32>
      %mul3A_359 = arith.constant 16 : i32
      %mul3A_360 = arith.muli %scan3A_340, %mul3A_359 : i32
      %swap3A_361 = arith.index_cast %mul3A_360 : i32 to index
      %swap3A_362 = tpu.vector_load %arg12[%swap3A_361] {strides = array<i32>} : memref<1024xf32, #tpu.memory_space<vmem>>, vector<16xf32>,
      tpu.vector_store %arg12[%swap3A_361], %add3A_358 {strides = array<i32>} : memref<1024xf32, #tpu.memory_space<vmem>>, vector<16xf32>,
    }
    %scan3A_326 = arith.constant 64 : i32
    %mul3A_327 = arith.constant 2 : i32
    %mul3A_328 = arith.muli %arg1, %mul3A_327 : i32
    %add3A_329 = arith.addi %mul3A_328, %arg0 : i32
    %mul3A_330 = arith.constant 32 : i32
    %mul3A_331 = arith.muli %add3A_329, %mul3A_330 : i32
    %scan3A_332 = arith.constant 0 : i32
    %scan3A_333 = arith.constant 0 : i32
    %scan3A_334 = arith.constant 32 : i32
    %scan3A_335 = arith.addi %scan3A_333, %scan3A_334 : i32
    %scan3A_336 = arith.constant 1 : i32
    scf.for %scan3A_340 = %scan3A_333 to %scan3A_335 step %scan3A_336  : i32 {
      %add3A_341 = arith.addi %mul3A_331, %scan3A_340 : i32
      %add3A_342 = vector.broadcast %add3A_341 : i32 to vector<16xi32>
      %add3A_343 = arith.addi %broadcast_in_dim3A_0, %add3A_342 : vector<16xi32>
      %gather3A_344 = tpu.vector_load_idx %arg12[%add3A_343] : memref<1024xf32, #tpu.memory_space<vmem>>[vector<16xi32>], vector<16xf32>,
      %mul3A_345 = arith.constant 16 : i32
      %mul3A_346 = arith.muli %scan3A_340, %mul3A_345 : i32
      %swap3A_347 = arith.constant 0 : i32
      %swap3A_348 = arith.index_cast %swap3A_347 : i32 to index
      %swap3A_349 = arith.index_cast %mul3A_346 : i32 to index
      %swap3A_350 = tpu.vector_load %arg4[%swap3A_348, %swap3A_349] {strides = array<i32>} : memref<16x512xf32, #tpu.memory_space<vmem>>, vector<16xf32>,
      tpu.vector_store %arg4[%swap3A_348, %swap3A_349], %gather3A_344 {strides = array<i32>} : memref<16x512xf32, #tpu.memory_space<vmem>>, vector<16xf32>,
      %mul3A_351 = arith.constant 16 : i32
      %mul3A_352 = arith.muli %scan3A_340, %mul3A_351 : i32
      %swap3A_353 = arith.constant 1 : i32
      %swap3A_354 = arith.index_cast %swap3A_353 : i32 to index
      %swap3A_355 = arith.index_cast %mul3A_352 : i32 to index
      %swap3A_356 = tpu.vector_load %arg4[%swap3A_354, %swap3A_355] {strides = array<i32>} : memref<16x512xf32, #tpu.memory_space<vmem>>, vector<16xf32>,
      tpu.vector_store %arg4[%swap3A_354, %swap3A_355], %gather3A_344 {strides = array<i32>} : memref<16x512xf32, #tpu.memory_space<vmem>>, vector<16xf32>,
      %mul3A_357 = arith.constant 16 : i32
      %mul3A_358 = arith.muli %scan3A_340, %mul3A_357 : i32
      %swap3A_359 = arith.constant 2 : i32
      %swap3A_360 = arith.index_cast %swap3A_359 : i32 to index
      %swap3A_361 = arith.index_cast %mul3A_358 : i32 to index
      %swap3A_362 = tpu.vector_load %arg4[%swap3A_360, %swap3A_361] {strides = array<i32>} : memref<16x512xf32, #tpu.memory_space<vmem>>, vector<16xf32>,
      tpu.vector_store %arg4[%swap3A_360, %swap3A_361], %gather3A_344 {strides = array<i32>} : memref<16x512xf32, #tpu.memory_space<vmem>>, vector<16xf32>,
      %mul3A_363 = arith.constant 16 : i32
      %mul3A_364 = arith.muli %scan3A_340, %mul3A_363 : i32
      %swap3A_365 = arith.constant 3 : i32
      %swap3A_366 = arith.index_cast %swap3A_365 : i32 to index
      %swap3A_367 = arith.index_cast %mul3A_364 : i32 to index
      %swap3A_368 = tpu.vector_load %arg4[%swap3A_366, %swap3A_367] {strides = array<i32>} : memref<16x512xf32, #tpu.memory_space<vmem>>, vector<16xf32>,
      tpu.vector_store %arg4[%swap3A_366, %swap3A_367], %gather3A_344 {strides = array<i32>} : memref<16x512xf32, #tpu.memory_space<vmem>>, vector<16xf32>,
      %mul3A_369 = arith.constant 16 : i32
      %mul3A_370 = arith.muli %scan3A_340, %mul3A_369 : i32
      %swap3A_371 = arith.constant 4 : i32
      %swap3A_372 = arith.index_cast %swap3A_371 : i32 to index
      %swap3A_373 = arith.index_cast %mul3A_370 : i32 to index
      %swap3A_374 = tpu.vector_load %arg4[%swap3A_372, %swap3A_373] {strides = array<i32>} : memref<16x512xf32, #tpu.memory_space<vmem>>, vector<16xf32>,
      tpu.vector_store %arg4[%swap3A_372, %swap3A_373], %gather3A_344 {strides = array<i32>} : memref<16x512xf32, #tpu.memory_space<vmem>>, vector<16xf32>,
      %mul3A_375 = arith.constant 16 : i32
      %mul3A_376 = arith.muli %scan3A_340, %mul3A_375 : i32
      %swap3A_377 = arith.constant 5 : i32
      %swap3A_378 = arith.index_cast %swap3A_377 : i32 to index
      %swap3A_379 = arith.index_cast %mul3A_376 : i32 to index
      %swap3A_380 = tpu.vector_load %arg4[%swap3A_378, %swap3A_379] {strides = array<i32>} : memref<16x512xf32, #tpu.memory_space<vmem>>, vector<16xf32>,
      tpu.vector_store %arg4[%swap3A_378, %swap3A_379], %gather3A_344 {strides = array<i32>} : memref<16x512xf32, #tpu.memory_space<vmem>>, vector<16xf32>,
      %mul3A_381 = arith.constant 16 : i32
      %mul3A_382 = arith.muli %scan3A_340, %mul3A_381 : i32
      %swap3A_383 = arith.constant 6 : i32
      %swap3A_384 = arith.index_cast %swap3A_383 : i32 to index
      %swap3A_385 = arith.index_cast %mul3A_382 : i32 to index
      %swap3A_386 = tpu.vector_load %arg4[%swap3A_384, %swap3A_385] {strides = array<i32>} : memref<16x512xf32, #tpu.memory_space<vmem>>, vector<16xf32>,
      tpu.vector_store %arg4[%swap3A_384, %swap3A_385], %gather3A_344 {strides = array<i32>} : memref<16x512xf32, #tpu.memory_space<vmem>>, vector<16xf32>,
      %mul3A_387 = arith.constant 16 : i32
      %mul3A_388 = arith.muli %scan3A_340, %mul3A_387 : i32
      %swap3A_389 = arith.constant 7 : i32
      %swap3A_390 = arith.index_cast %swap3A_389 : i32 to index
      %swap3A_391 = arith.index_cast %mul3A_388 : i32 to index
      %swap3A_392 = tpu.vector_load %arg4[%swap3A_390, %swap3A_391] {strides = array<i32>} : memref<16x512xf32, #tpu.memory_space<vmem>>, vector<16xf32>,
      tpu.vector_store %arg4[%swap3A_390, %swap3A_391], %gather3A_344 {strides = array<i32>} : memref<16x512xf32, #tpu.memory_space<vmem>>, vector<16xf32>,
      %mul3A_393 = arith.constant 16 : i32
      %mul3A_394 = arith.muli %scan3A_340, %mul3A_393 : i32
      %swap3A_395 = arith.constant 8 : i32
      %swap3A_396 = arith.index_cast %swap3A_395 : i32 to index
      %swap3A_397 = arith.index_cast %mul3A_394 : i32 to index
      %swap3A_398 = tpu.vector_load %arg4[%swap3A_396, %swap3A_397] {strides = array<i32>} : memref<16x512xf32, #tpu.memory_space<vmem>>, vector<16xf32>,
      tpu.vector_store %arg4[%swap3A_396, %swap3A_397], %gather3A_344 {strides = array<i32>} : memref<16x512xf32, #tpu.memory_space<vmem>>, vector<16xf32>,
      %mul3A_399 = arith.constant 16 : i32
      %mul3A_400 = arith.muli %scan3A_340, %mul3A_399 : i32
      %swap3A_401 = arith.constant 9 : i32
      %swap3A_402 = arith.index_cast %swap3A_401 : i32 to index
      %swap3A_403 = arith.index_cast %mul3A_400 : i32 to index
      %swap3A_404 = tpu.vector_load %arg4[%swap3A_402, %swap3A_403] {strides = array<i32>} : memref<16x512xf32, #tpu.memory_space<vmem>>, vector<16xf32>,
      tpu.vector_store %arg4[%swap3A_402, %swap3A_403], %gather3A_344 {strides = array<i32>} : memref<16x512xf32, #tpu.memory_space<vmem>>, vector<16xf32>,
      %mul3A_405 = arith.constant 16 : i32
      %mul3A_406 = arith.muli %scan3A_340, %mul3A_405 : i32
      %swap3A_407 = arith.constant 10 : i32
      %swap3A_408 = arith.index_cast %swap3A_407 : i32 to index
      %swap3A_409 = arith.index_cast %mul3A_406 : i32 to index
      %swap3A_410 = tpu.vector_load %arg4[%swap3A_408, %swap3A_409] {strides = array<i32>} : memref<16x512xf32, #tpu.memory_space<vmem>>, vector<16xf32>,
      tpu.vector_store %arg4[%swap3A_408, %swap3A_409], %gather3A_344 {strides = array<i32>} : memref<16x512xf32, #tpu.memory_space<vmem>>, vector<16xf32>,
      %mul3A_411 = arith.constant 16 : i32
      %mul3A_412 = arith.muli %scan3A_340, %mul3A_411 : i32
      %swap3A_413 = arith.constant 11 : i32
      %swap3A_414 = arith.index_cast %swap3A_413 : i32 to index
      %swap3A_415 = arith.index_cast %mul3A_412 : i32 to index
      %swap3A_416 = tpu.vector_load %arg4[%swap3A_414, %swap3A_415] {strides = array<i32>} : memref<16x512xf32, #tpu.memory_space<vmem>>, vector<16xf32>,
      tpu.vector_store %arg4[%swap3A_414, %swap3A_415], %gather3A_344 {strides = array<i32>} : memref<16x512xf32, #tpu.memory_space<vmem>>, vector<16xf32>,
      %mul3A_417 = arith.constant 16 : i32
      %mul3A_418 = arith.muli %scan3A_340, %mul3A_417 : i32
      %swap3A_419 = arith.constant 12 : i32
      %swap3A_420 = arith.index_cast %swap3A_419 : i32 to index
      %swap3A_421 = arith.index_cast %mul3A_418 : i32 to index
      %swap3A_422 = tpu.vector_load %arg4[%swap3A_420, %swap3A_421] {strides = array<i32>} : memref<16x512xf32, #tpu.memory_space<vmem>>, vector<16xf32>,
      tpu.vector_store %arg4[%swap3A_420, %swap3A_421], %gather3A_344 {strides = array<i32>} : memref<16x512xf32, #tpu.memory_space<vmem>>, vector<16xf32>,
      %mul3A_423 = arith.constant 16 : i32
      %mul3A_424 = arith.muli %scan3A_340, %mul3A_423 : i32
      %swap3A_425 = arith.constant 13 : i32
      %swap3A_426 = arith.index_cast %swap3A_425 : i32 to index
      %swap3A_427 = arith.index_cast %mul3A_424 : i32 to index
      %swap3A_428 = tpu.vector_load %arg4[%swap3A_426, %swap3A_427] {strides = array<i32>} : memref<16x512xf32, #tpu.memory_space<vmem>>, vector<16xf32>,
      tpu.vector_store %arg4[%swap3A_426, %swap3A_427], %gather3A_344 {strides = array<i32>} : memref<16x512xf32, #tpu.memory_space<vmem>>, vector<16xf32>,
      %mul3A_429 = arith.constant 16 : i32
      %mul3A_430 = arith.muli %scan3A_340, %mul3A_429 : i32
      %swap3A_431 = arith.constant 14 : i32
      %swap3A_432 = arith.index_cast %swap3A_431 : i32 to index
      %swap3A_433 = arith.index_cast %mul3A_430 : i32 to index
      %swap3A_434 = tpu.vector_load %arg4[%swap3A_432, %swap3A_433] {strides = array<i32>} : memref<16x512xf32, #tpu.memory_space<vmem>>, vector<16xf32>,
      tpu.vector_store %arg4[%swap3A_432, %swap3A_433], %gather3A_344 {strides = array<i32>} : memref<16x512xf32, #tpu.memory_space<vmem>>, vector<16xf32>,
      %mul3A_435 = arith.constant 16 : i32
      %mul3A_436 = arith.muli %scan3A_340, %mul3A_435 : i32
      %swap3A_437 = arith.constant 15 : i32
      %swap3A_438 = arith.index_cast %swap3A_437 : i32 to index
      %swap3A_439 = arith.index_cast %mul3A_436 : i32 to index
      %swap3A_440 = tpu.vector_load %arg4[%swap3A_438, %swap3A_439] {strides = array<i32>} : memref<16x512xf32, #tpu.memory_space<vmem>>, vector<16xf32>,
      tpu.vector_store %arg4[%swap3A_438, %swap3A_439], %gather3A_344 {strides = array<i32>} : memref<16x512xf32, #tpu.memory_space<vmem>>, vector<16xf32>,
    }
    %scan3A_337 = arith.constant 32 : i32
    %mul3A_338 = arith.constant 16 : i32
    %mul3A_339 = arith.muli %add3A_329, %mul3A_338 : i32
    "tpu.region"() ({
      %run_scoped3A = tpu.sem_alloc : memref<!tpu.dma_semaphore, #tpu.memory_space<semaphore_mem>>
      %dma_start3A_340 = arith.constant 0 : i32
      %dma_start3A_341 = tpu.memref_slice %arg3[%mul3A_339, %dma_start3A_340] : memref<512x512xf32, #tpu.memory_space<hbm>> -> memref<16x512xf32, #tpu.memory_space<hbm>>
      %dma_start3A_342 = arith.constant 0 : i32
      %dma_start3A_343 = tpu.memref_slice %arg3[%mul3A_339, %dma_start3A_342] : memref<512x512xf32, #tpu.memory_space<hbm>> -> memref<16x512xf32, #tpu.memory_space<hbm>>
      tpu.enqueue_dma source(%arg4 : memref<16x512xf32, #tpu.memory_space<vmem>>) target(%dma_start3A_343 : memref<16x512xf32, #tpu.memory_space<hbm>>) target_semaphore(%run_scoped3A : memref<!tpu.dma_semaphore, #tpu.memory_space<semaphore_mem>>)
      %dma_wait3A_344 = arith.constant 0 : i32
      %dma_wait3A_345 = tpu.memref_slice %arg3[%mul3A_339, %dma_wait3A_344] : memref<512x512xf32, #tpu.memory_space<hbm>> -> memref<16x512xf32, #tpu.memory_space<hbm>>
      %dma_wait3A_346 = arith.constant 0 : i32
      %dma_wait3A_347 = tpu.memref_slice %arg3[%mul3A_339, %dma_wait3A_346] : memref<512x512xf32, #tpu.memory_space<hbm>> -> memref<16x512xf32, #tpu.memory_space<hbm>>
      tpu.wait_dma2 semaphore(%run_scoped3A : memref<!tpu.dma_semaphore, #tpu.memory_space<semaphore_mem>>) src(%arg4 : memref<16x512xf32, #tpu.memory_space<vmem>>) dst(%dma_wait3A_347 : memref<16x512xf32, #tpu.memory_space<hbm>>)
      tpu.yield
    }) : () -> ()
    return
  }
}

</mosaic_0001>

<sc_bundles>
// kernel: kernel.3.cloned.1.call-start
scs
__scs_entry_jumppad:
0x0: {  	(pc) =	sbr.rel $0x88, $3  }
0x1: {  	(tag) =	ssettag $0x0;
	lr =	simm.s32 $0x1  }
0x2: {  	[smem:$0x3FA0] =	sst lr;
	_ =	strace $0xD0000000  }
0x3: {  	_ = 	snop  }
0x4: {  	_ = 	snop  }
0x5: {  	_ = 	snop  }
0x6: {  	_ = 	snop  }
0x7: {  	_ = 	snop  }
__scs_overlays_trampoline_lowered:
0x8: {  	[smem:$0x3FAF] =	sst s0  }
0x9: {  	[smem:$0x3FB0] =	sst s1  }
0xa: {  	[smem:$0x3FB1] =	sst s2  }
0xb: {  	[smem:$0x3FB2] =	sst s3  }
0xc: {  	[smem:$0x3FB3] =	sst s4  }
0xd: {  	[smem:$0x3FB4] =	sst s5  }
0xe: {  	[smem:$0x3FB5] =	sst s6  }
0xf: {  	[smem:$0x3FB6] =	sst s7  }
0x10: {  	[smem:$0x3FB7] =	sst s8  }
0x11: {  	[smem:$0x3FB8] =	sst s9;
	s0 =	simm.s32 @!p0 $0x0  }
0x12: {  	s1 =	sld [smem:$0x3F9E];
	s0 =	simm.s32 @p0 $0x1  }
0x13: {  	[smem:$0x3FB9] =	sst s0;
	s0 =	simm.s32 @!p1 $0x0  }
0x14: {  	s2 =	sld [smem:$0x3F9D];
	s0 =	simm.s32 @p1 $0x1  }
0x15: {  	[smem:$0x3FBA] =	sst s0;
	s0 =	simm.s32 @!p2 $0x0  }
0x16: {  	s3 =	sld [smem:$0x3FDB];
	s0 =	simm.s32 @p2 $0x1  }
0x17: {  	s4 =	simm.s32 $0x1BF5;
	[smem:$0x3FBC] =	sst s0  }
0x18: {  	s0 =	sld [smem:$0x3F9F];
	_ =	swait.ge [sflag:s4], $0x0  }
0x19: {  	s7 =	sld [smem:$0x3FA0]  }
0x1a: {  	s8 =	sadd.s32 $0xFFFFE003, lr  }
0x1b: {  	s9 =	sadd.s32 $0xFFFFFEF7, lr;
	s5 =	simm.s32 $0xFFFFFFFF;
	p2 =	slt.u32 s8, $0xFFFFF086  }
0x1c: {  	p1 =	slt.u32 s9, $0xF7A;
	s5 =	simm.s32 @!p2 $0x0  }
0x1d: {  	s5 =	simm.s32 @p1 $0x1;
	p0 =	seq.s32 s7, s2  }
0x1e: {  	s7 =	smul.u32 @!p0 $0xF7A, s2;
	p2 =	seq.s32 @!p0 s5, $0x0  }
0x1f: {  	s9 =	smul.u32 $0xF7A, s1;
	s8 =	simm.s32 @!p0 $0x1BF5;
	p2 =	por !p2, p0  }
0x20: {  	[sflag:s8] =	ssyncset.s32 @!p0 $0xFFFFF086;
	s6 =	sadd.s32 @!p0 s3, s7;
	s7 =	simm.s32 @!p0 $0x108  }
0x21: {  	s3 =	sadd.s32 s3, s9;
	s6 =	sadd.s32 @!p0 $0x88, s6;
	s7 =	simm.s32 @p2 $0x1082  }
0x22: {  	[simem:s7], [sflag:s8] =	dma.local @!p0 [hbm:s6], $0xF7A  }
0x23: {  	s9 =	sor.u32 $0xD0000000, s2;
	s6 =	simm.s32 $0x108;
	_ =	swait.ge @!p0 [sflag:s8], $0x0  }
0x24: {  	s3 =	sadd.s32 $0x88, s3;
	s6 =	simm.s32 @!p1 $0x1082;
	[sflag:s4] =	ssyncset.s32 $0xFFFFF086  }
0x25: {  	[simem:s6], [sflag:s4] =	dma.local [hbm:s3], $0xF7A  }
0x26: {  	[smem:$0x3FA0] =	sst s1;
	(tag) =	ssettag s2;
	_ =	strace s9  }
0x27: {  	s1 =	sld [smem:$0x3FB0]  }
0x28: {  	s2 =	sld [smem:$0x3FB1]  }
0x29: {  	s4 =	sld [smem:$0x3FB3]  }
0x2a: {  	p0 =	seq.s32 s5, $0x0;
	s5 =	sld [smem:$0x3FB4]  }
0x2b: {  	s6 =	sld [smem:$0x3FB5]  }
0x2c: {  	s7 =	sld [smem:$0x3FB6]  }
0x2d: {  	s3 =	simm.s32 $0x108;
	s8 =	sld [smem:$0x3FB7]  }
0x2e: {  	s3 =	simm.s32 @!p0 $0x1082;
	s9 =	sld [smem:$0x3FB8]  }
0x2f: {  	lr =	sadd.s32 s0, s3;
	s0 =	sld [smem:$0x3FAF]  }
0x30: {  	s3 =	sld [smem:$0x3FB2]  }
0x31: {  	[smem:$0x3FBB] =	sst s10  }
0x32: {  	s10 =	sld [smem:$0x3FB9];
	_ =	sdelay $0x3  }
0x33: {  	p0 =	seq.s32 s10, $0x1;
	s10 =	sld [smem:$0x3FBB];
	_ =	sdelay $0x3  }
0x34: {  	[smem:$0x3FBB] =	sst s10  }
0x35: {  	s10 =	sld [smem:$0x3FBA];
	_ =	sdelay $0x3  }
0x36: {  	p1 =	seq.s32 s10, $0x1;
	s10 =	sld [smem:$0x3FBB];
	_ =	sdelay $0x3  }
0x37: {  	[smem:$0x3FBB] =	sst s10  }
0x38: {  	s10 =	sld [smem:$0x3FBC]  }
0x39: {  	_ = 	snop;
	(pc) =	sbr.ind lr, $3  }
0x3a: {  	_ = 	snop  }
0x3b: {  	_ = 	snop  }
0x3c: {  	p2 =	seq.s32 s10, $0x1;
	s10 =	sld [smem:$0x3FBB]  }
0x3d: {  	_ =	shalt  }
0x3e: {  	_ =	shalt  }
0x3f: {  	_ =	shalt  }
0x40: {  	_ =	shalt  }
0x41: {  	_ =	shalt  }
0x42: {  	_ =	shalt  }
0x43: {  	_ =	shalt  }
0x44: {  	_ =	shalt  }
0x45: {  	_ =	shalt  }
0x46: {  	_ =	shalt  }
0x47: {  	_ =	shalt  }
0x48: {  	_ =	shalt  }
0x49: {  	_ =	shalt  }
0x4a: {  	_ =	shalt  }
0x4b: {  	_ =	shalt  }
0x4c: {  	_ =	shalt  }
0x4d: {  	_ =	shalt  }
0x4e: {  	_ =	shalt  }
0x4f: {  	_ =	shalt  }
0x50: {  	_ =	shalt  }
0x51: {  	_ =	shalt  }
0x52: {  	_ =	shalt  }
0x53: {  	_ =	shalt  }
0x54: {  	_ =	shalt  }
0x55: {  	_ =	shalt  }
0x56: {  	_ =	shalt  }
0x57: {  	_ =	shalt  }
0x58: {  	_ =	shalt  }
0x59: {  	_ =	shalt  }
0x5a: {  	_ =	shalt  }
0x5b: {  	_ =	shalt  }
0x5c: {  	_ =	shalt  }
0x5d: {  	_ =	shalt  }
0x5e: {  	_ =	shalt  }
0x5f: {  	_ =	shalt  }
0x60: {  	_ =	shalt  }
0x61: {  	_ =	shalt  }
0x62: {  	_ =	shalt  }
0x63: {  	_ =	shalt  }
0x64: {  	_ =	shalt  }
0x65: {  	_ =	shalt  }
0x66: {  	_ =	shalt  }
0x67: {  	_ =	shalt  }
0x68: {  	_ =	shalt  }
0x69: {  	_ =	shalt  }
0x6a: {  	_ =	shalt  }
0x6b: {  	_ =	shalt  }
0x6c: {  	_ =	shalt  }
0x6d: {  	_ =	shalt  }
0x6e: {  	_ =	shalt  }
0x6f: {  	_ =	shalt  }
0x70: {  	_ =	shalt  }
0x71: {  	_ =	shalt  }
0x72: {  	_ =	shalt  }
0x73: {  	_ =	shalt  }
0x74: {  	_ =	shalt  }
0x75: {  	_ =	shalt  }
0x76: {  	_ =	shalt  }
0x77: {  	_ =	shalt  }
0x78: {  	_ =	shalt  }
0x79: {  	_ =	shalt  }
0x7a: {  	_ =	shalt  }
0x7b: {  	_ =	shalt  }
0x7c: {  	_ =	shalt  }
0x7d: {  	_ =	shalt  }
0x7e: {  	_ =	shalt  }
0x7f: {  	_ =	shalt  }
0x80: {  	_ =	shalt  }
0x81: {  	_ =	shalt  }
0x82: {  	_ =	shalt  }
0x83: {  	_ =	shalt  }
0x84: {  	_ =	shalt  }
0x85: {  	_ =	shalt  }
0x86: {  	_ =	shalt  }
0x87: {  	_ =	shalt  }
.Lfunc_end0:
.L_simem_size_0:
called_computation_lowered:
.L_overlay_start_0:
0x88: {  	s2 =	sld [smem:$0x3FD9]  }
0x89: {  	s3 =	sld [smem:$0x3FFE];
	_ =	sdelay $0x1  }
0x8a: {  	s1 =	srdreg.scid  }
0x8b: {  	s0 =	sand.u32 $0x1, s1  }
0x8c: {  	s18 =	sshll.u32 s0, $0xA;
	s2 =	sadd.s32 s3, s2  }
0x8d: {  	s2 =	sadd.s32 s2, s18  }
0x8e: {  	[smem:$0x3FC7] =	sst s2  }
0x8f: {  	_ = 	snop  }
0x90: {  	s2 =	sld [smem:$0x3FC9]  }
0x91: {  	s19 =	sld [smem:$0x3FD0];
	(tm) =	ssettm $0x1  }
0x92: {  	s4 =	sld [smem:$0x3FFB];
	_ =	sdelay $0x3  }
0x93: {  	_ =	strace s4  }
0x94: {  	s4 =	sld [smem:$0x3FFC];
	_ =	sdelay $0x3  }
0x95: {  	_ =	strace s4  }
0x96: {  	s4 =	sld [smem:$0x3FFD];
	_ =	sdelay $0x3  }
0x97: {  	_ =	strace s4  }
0x98: {  	_ =	strace $0x8FFFFFFF  }
0x99: {  	s20 =	sld [smem:$0x3FDB];
	_ =	sdelay $0x1  }
0x9a: {  	s5 =	simm.s32 $_scs_section_size  }
0x9b: {  	s6 =	simm.s32 $_size__tile_overlayer_lowered;
	s7 =	simm.s32 $_tile_overlayer_lowered  }
0x9c: {  	s23 =	simm.s32 $0x1BFF;
	s22 =	sshll.u32 s7, $0x1;
	s4 =	sadd.s32 s5, s20  }
0x9d: {  	s8 =	simm.s32 $0x0;
	s21 =	sshll.u32 s6, $0x1;
	s6 =	sadd.s32 s22, s4  }
0x9e: {  	[timem:s8], [sflag:s23] =	dma.local [hbm:s6], s21  }
0x9f: {  	_ =	swait.ge [sflag:s23], s21  }
0xa0: {  	s5 =	ssub.s32 $0x0, s21;
	[sflag:s23] =	ssyncset.done $0x0  }
0xa1: {  	[sflag:s23] =	ssyncadd.s32 s5;
	_ =	sdelay $0x1  }
0xa2: {  	s24 =	simm.s32 $0x1B8B  }
0xa3: {  	_ =	swait.ge [sflag:s24], $0x1  }
0xa4: {  	[sflag:s24] =	ssyncset.done $0x0  }
0xa5: {  	s25 =	simm.s32 $0x1B8E;
	[sflag:s24] =	ssyncadd.s32 $0xFFFFFFFF  }
0xa6: {  	s26 =	simm.s32 $execute0_lowered;
	[smem:$0x3FD2] =	sst s25  }
0xa7: {  	s5 =	sshll.u32 s26, $0x1;
	_ =	strace $0x80000046;
	[dreg:$0x1] =	wrdreg $0xFFFFFFFF  }
0xa8: {  	s28 =	simm.s32 $_size_execute0_lowered;
	s4 =	sadd.s32 s4, s5;
	[dreg:$0x0] =	wrdreg $0x0  }
0xa9: {  	s5 =	sshll.u32 s28, $0x1;
	[dreg:$0x2] =	wrdreg s4  }
0xaa: {  	[dreg:$0x3] =	wrdreg s5  }
0xab: {  	[dreg:$0x4] =	wrdreg $0xC0  }
0xac: {  	_ =	task [dreg:s8], $0x5FFFF  }
0xad: {  	[dreg:$0x1] =	wrdreg $0xFFFFFFFF  }
0xae: {  	[dreg:$0x0] =	wrdreg $0x60  }
0xaf: {  	[dreg:$0x2] =	wrdreg s2  }
0xb0: {  	[dreg:$0x3] =	wrdreg s19  }
0xb1: {  	[dreg:$0x4] =	wrdreg $0x4F800  }
0xb2: {  	[dreg:$0x5] =	wrdreg $0x9  }
0xb3: {  	_ =	task.clear_ibuf [dreg:s8], $0x6FFFF;
	_ =	strace $0x90000046  }
0xb4: {  	s29 =	simm.s32 $0x9;
	_ =	strace $0x80000048  }
0xb5: {  	_ =	swait.ge [sflag:s29], $0x1  }
0xb6: {  	[sflag:s29] =	ssyncadd.s32 $0xFFFFFFFF  }
0xb7: {  	_ =	strace $0x90000048  }
0xb8: {  	_ =	sfence  }
0xb9: {  	s30 =	sld [smem:$0x0];
	_ =	sdelay $0x2  }
0xba: {  	s31 =	sshll.u32 s1, $0xD;
	s1 =	sshrl.u32 s1, $0x2  }
0xbb: {  	s3 =	sand.u32 $0x4000, s31;
	s1 =	sadd.s32 s1, s30  }
0xbc: {  	s0 =	sor.u32 s3, s0;
	s1 =	sshll.u32 s1, $0x11  }
0xbd: {  	s0 =	sor.u32 s1, s0  }
0xbe: {  	s0 =	sadd.s32 $0x8F2B, s0  }
0xbf: {  	[sflag:s0] =	ssyncadd.remote.s32 $0x1  }
0xc0: {  	_ =	sfence.sel $0xFFFF  }
0xc1: {  	[dreg:$0x0] =	wrdreg $0xFFFFFFFF;
	(pc) =	sbr.abs _section_cstart, $3  }
0xc2: {  	[dreg:$0x1] =	wrdreg $0xFFFFFFFF  }
0xc3: {  	_ =	task.clear_ibuf [dreg:s8], $0x2FFFF;
	_ =	strace $0x9FFFFFFF  }
0xc4: {  	(tm) =	ssettm $0x7FFFFFFF  }
0xc5: {  	_ =	shalt  }
tec
execute0_lowered:
.L_overlay_start_1:
0x0: {  	(tag) =	ssettag $0x1  }
0x1: {  	v0 =	vimm.f32 $2.400000000e+02;
	vm13 =	vcmask $0x300  }
0x2: {  	v3 =	vlaneseq.u32;
	vm14 =	vcmask $0x704;
	vm12 =	vcmask $0xB08  }
0x3: {  	vm11 =	vcmask $0xF0C;
	vm10 =	vcmask $0x1310;
	vm9 =	vcmask $0x1714  }
0x4: {  	vm8 =	vcmask $0x1B18;
	vm7 =	vcmask $0x1F1C;
	v5 =	vimm.f32 $4.960000000e+02  }
0x5: {  	vm6 =	vcmask $0x2320;
	vm5 =	vcmask $0x2724;
	vm3 =	vcmask $0x2B28  }
0x6: {  	vm1 =	vcmask $0x2F2C;
	vm0 =	vcmask $0x3330;
	v6 =	vimm.s32 $0x87766554  }
0x7: {  	v7 =	vimm.s32 $0x43322110;
	vm2 =	vcmask $0x3734;
	vm4 =	vcmask $0x3B38  }
0x8: {  	v9 =	vimm.s32 $0xCBBAA998;
	v10 =	vimm.s32 $0xFFEEDDC;
	vm15 =	vcmask $0x3B20  }
0x9: {  	v1 =	vsel vm13, $0x0, v0;
	v0 =	vmul.u32 $0x10, v3;
	v2 =	vmul.u32 $0x20, v3  }
0xa: {  	v3 =	vmul.u32 $0xFFFFFFFF, v3;
	v5 =	vsel vm13, $0x43800000, v5;
	v6 =	vunpack.c.l.s4.s8 v6  }
0xb: {  	v7 =	vunpack.c.l.s4.s8 v7;
	v9 =	vunpack.c.l.s4.s8 v9;
	v5 =	vsel vm14, $0x43880000, v5  }
0xc: {  	v10 =	vunpack.c.l.s4.s8 v10;
	v1 =	vsel vm14, $0x41800000, v1;
	v5 =	vsel vm12, $0x43900000, v5  }
0xd: {  	v4 =	vsel vm12, $0x42000000, v1;
	v1 =	vimm.s32 $0x0;
	v5 =	vsel vm11, $0x43980000, v5  }
0xe: {  	v2 =	vadd.s32 $0x100, v2;
	v3 =	vadd.s32 $0xF, v3;
	v5 =	vsel vm10, $0x43A00000, v5  }
0xf: {  	v6 =	vunpack.c.0.s8.s32 v6;
	v7 =	vunpack.c.0.s8.s32 v7;
	v5 =	vsel vm9, $0x43A80000, v5  }
0x10: {  	v9 =	vunpack.c.0.s8.s32 v9;
	v4 =	vsel vm11, $0x42400000, v4;
	v5 =	vsel vm8, $0x43B00000, v5  }
0x11: {  	v10 =	vunpack.c.0.s8.s32 v10;
	v4 =	vsel vm10, $0x42800000, v4;
	v5 =	vsel vm7, $0x43B80000, v5  }
0x12: {  	v6 =	vand.u32 $0xF, v6;
	v9 =	vand.u32 $0xF, v9;
	v5 =	vsel vm6, $0x43C00000, v5  }
0x13: {  	v10 =	vand.u32 $0xF, v10;
	v4 =	vsel vm9, $0x42A00000, v4;
	v5 =	vsel vm5, $0x43C80000, v5  }
0x14: {  	v4 =	vsel vm8, $0x42C00000, v4;
	v8 =	vsel vm3, $0x43D00000, v5;
	v5 =	vcombine.low v7, v6  }
0x15: {  	v7 =	vimm.f32 $7.520000000e+02;
	v6 =	vsel vm1, $0x43D80000, v8;
	v8 =	vimm.f32 $1.008000000e+03  }
0x16: {  	v4 =	vsel vm7, $0x42E00000, v4;
	v7 =	vsel vm13, $0x44000000, v7;
	v8 =	vsel vm13, $0x44400000, v8  }
0x17: {  	v4 =	vsel vm6, $0x43000000, v4;
	v7 =	vsel vm14, $0x44040000, v7;
	v8 =	vsel vm14, $0x44440000, v8  }
0x18: {  	s4 =	rddreg [dreg:$0x0];
	v4 =	vsel vm5, $0x43100000, v4;
	v7 =	vsel vm12, $0x44080000, v7;
	v8 =	vsel vm12, $0x44480000, v8  }
0x19: {  	s7 =	rddreg [dreg:$0x1];
	v4 =	vsel vm3, $0x43200000, v4;
	v7 =	vsel vm11, $0x440C0000, v7;
	v8 =	vsel vm11, $0x444C0000, v8  }
0x1a: {  	s0 =	srdreg.scid;
	s1 =	rddreg [dreg:$0x2];
	s2 =	simm.s32 $0x0;
	v4 =	vsel vm1, $0x43300000, v4;
	v7 =	vsel vm10, $0x44100000, v7;
	v8 =	vsel vm10, $0x44500000, v8  }
0x1b: {  	s3 =	stileid.u32;
	s13 =	simm.s32 $0x2;
	s14 =	simm.s32 $0x4200;
	v4 =	vsel vm0, $0x43400000, v4;
	v7 =	vsel vm9, $0x44140000, v7;
	v8 =	vsel vm9, $0x44540000, v8  }
0x1c: {  	s15 =	simm.s32 $0x3;
	s16 =	simm.s32 $0x4680;
	s17 =	simm.s32 $0x4B00;
	v6 =	vsel vm0, $0x43E00000, v6;
	v7 =	vsel vm8, $0x44180000, v7;
	v8 =	vsel vm8, $0x44580000, v8  }
0x1d: {  	s18 =	simm.s32 $0x4A80;
	s9 =	sand.u32 $0x1, s0;
	s0 =	rddreg [dreg:$0x3];
	v4 =	vsel vm2, $0x43500000, v4;
	v7 =	vsel vm7, $0x441C0000, v7;
	v8 =	vsel vm7, $0x445C0000, v8  }
0x1e: {  	s19 =	simm.s32 $0x4B80;
	s20 =	simm.s32 $0x0;
	[smem:$0x7FF] =	sst s2;
	v6 =	vsel vm2, $0x43E80000, v6;
	v7 =	vsel vm6, $0x44200000, v7;
	v8 =	vsel vm6, $0x44600000, v8  }
0x1f: {  	s10 =	sshll.u32 s3, $0xB;
	s11 =	sshll.u32 s3, $0x6;
	s5 =	ssub.s32 $0x2, s9;
	vm14 =	vcmask $0x1F00;
	v7 =	vsel vm5, $0x44240000, v7;
	v8 =	vsel vm5, $0x44640000, v8  }
0x20: {  	_ =	strace $0x80000047;
	s4 =	sadd.s32 s4, s10;
	s12 =	sshll.u32 s9, $0xA;
	v4 =	vsel vm4, $0x43600000, v4;
	v7 =	vsel vm3, $0x44280000, v7;
	v8 =	vsel vm3, $0x44680000, v8  }
0x21: {  	s9 =	sshll.u32 s9, $0x5;
	s6 =	sshrl.u32 s5, $0x1;
	s10 =	sor.u32 s12, s10;
	v6 =	vsel vm4, $0x43F00000, v6;
	v7 =	vsel vm1, $0x442C0000, v7;
	v8 =	vsel vm1, $0x446C0000, v8  }
0x22: {  	s9 =	sor.u32 s9, s11;
	s12 =	simm.s32 $0x4000;
	s8 =	ssub.s32 s5, s6;
	v9 =	vnsel vm14, $0x10, v9;
	v11 =	vsel vm0, $0x44300000, v7;
	v8 =	vsel vm0, $0x44700000, v8  }
0x23: {  	s5 =	sadd.s32 $0x400, s4;
	s6 =	sadd.s32 s11, s1;
	s7 =	sadd.s32 s7, s10;
	v7 =	vsel vm15, v10, v9;
	v9 =	vsel vm2, $0x44340000, v11;
	v10 =	vsel vm2, $0x44740000, v8  }
0x24: {  	s10 =	simm.s32 $0x2000;
	s11 =	simm.s32 $0x1;
	s8 =	smax.u32 s8, $0x1;
	v8 =	vsel vm4, $0x44380000, v9;
	v9 =	vimm.s32 $0x10;
	v10 =	vsel vm4, $0x44780000, v10  }
.LBB2_1:
0x25: {  	[tilespmem:s2], [sflag:$0x1] =	stream.linear.gather [hbm4b:s4+s2], $0x2000, $0x38;
	[tilespmem:$0x4FC0] =	vst v63  }
0x26: {  	_ = 	snop  }
0x27: {  	[tilespmem:s10], [sflag:$0x2] =	stream.linear.gather [hbm4b:s5+s2], $0x2000, $0x38;
	[tilespmem:$0x4FC0] =	vst v63  }
0x28: {  	_ =	swait.ge [sflag:s11], $0x2000  }
0x29: {  	s21 =	sand.u32 $0x70, s2;
	s22 =	sand.u32 $0xC00, s2;
	[sflag:s11] =	ssyncset.done $0x0  }
0x2a: {  	s21 =	sor.u32 s21, s22;
	[sflag:s11] =	ssyncadd.s32 $0xFFFFE000  }
0x2b: {  	v11 =	vld [tilespmem:s21+$0x80]  }
0x2c: {  	v12 =	vld [tilespmem:s21+$0x0];
	_ =	sdelay $0x1  }
0x2d: {  	v13 =	vld [tilespmem:s21+$0x100];
	_ =	sdelay $0x1  }
0x2e: {  	v14 =	vld [tilespmem:s21+$0x180]  }
0x2f: {  	v11 =	vadd.f32 v11, v12  }
0x30: {  	v52 =	vld [tilespmem:s21+$0x200]  }
0x31: {  	v11 =	vadd.f32 v13, v11  }
0x32: {  	v53 =	vld [tilespmem:s21+$0x280]  }
0x33: {  	v11 =	vadd.f32 v14, v11  }
0x34: {  	v54 =	vld [tilespmem:s21+$0x300]  }
0x35: {  	v11 =	vadd.f32 v52, v11  }
0x36: {  	v55 =	vld [tilespmem:s21+$0x380]  }
0x37: {  	v11 =	vadd.f32 v53, v11  }
0x38: {  	v56 =	vld [tilespmem:s21+$0x1000]  }
0x39: {  	v11 =	vadd.f32 v54, v11  }
0x3a: {  	v57 =	vld [tilespmem:s21+$0x1080]  }
0x3b: {  	v11 =	vadd.f32 v55, v11  }
0x3c: {  	v58 =	vld [tilespmem:s21+$0x1100]  }
0x3d: {  	v11 =	vadd.f32 v56, v11  }
0x3e: {  	v59 =	vld [tilespmem:s21+$0x1180]  }
0x3f: {  	v11 =	vadd.f32 v57, v11  }
0x40: {  	v60 =	vld [tilespmem:s21+$0x1200]  }
0x41: {  	v11 =	vadd.f32 v58, v11  }
0x42: {  	v61 =	vld [tilespmem:s21+$0x1280]  }
0x43: {  	v11 =	vadd.f32 v59, v11  }
0x44: {  	v62 =	vld [tilespmem:s21+$0x1300]  }
0x45: {  	v11 =	vadd.f32 v60, v11  }
0x46: {  	v63 =	vld [tilespmem:s21+$0x1380]  }
0x47: {  	v11 =	vadd.f32 v61, v11;
	_ =	sdelay $0x1  }
0x48: {  	v11 =	vadd.f32 v62, v11;
	_ =	sdelay $0x1  }
0x49: {  	s30 =	simm.s32 $0x10;
	s23 =	simm.s32 $0x80;
	v11 =	vadd.f32 v63, v11  }
0x4a: {  	s31 =	sand.u32 $0xC00, s23;
	s21 =	sand.u32 $0x70, s30  }
0x4b: {  	s24 =	simm.s32 $0x20;
	s22 =	sor.u32 s21, s31;
	s21 =	simm.s32 $0x4000;
	[tilespmem:s12+$0x0] =	vst v11  }
.LBB2_2:
0x4c: {  	p0 =	sne.s32 s24, $0x1F0;
	v11 =	vld [tilespmem:s22+$0x80]  }
0x4d: {  	v12 =	vld [tilespmem:s22+$0x0];
	_ =	sdelay $0x1  }
0x4e: {  	v13 =	vld [tilespmem:s22+$0x100];
	_ =	sdelay $0x1  }
0x4f: {  	v14 =	vld [tilespmem:s22+$0x180]  }
0x50: {  	v11 =	vadd.f32 v11, v12  }
0x51: {  	v12 =	vld [tilespmem:s22+$0x200]  }
0x52: {  	v11 =	vadd.f32 v13, v11  }
0x53: {  	v13 =	vld [tilespmem:s22+$0x280]  }
0x54: {  	v11 =	vadd.f32 v14, v11  }
0x55: {  	v14 =	vld [tilespmem:s22+$0x300]  }
0x56: {  	v11 =	vadd.f32 v12, v11  }
0x57: {  	v12 =	vld [tilespmem:s22+$0x380]  }
0x58: {  	v11 =	vadd.f32 v13, v11  }
0x59: {  	v13 =	vld [tilespmem:s22+$0x1000]  }
0x5a: {  	v11 =	vadd.f32 v14, v11  }
0x5b: {  	v14 =	vld [tilespmem:s22+$0x1080]  }
0x5c: {  	v11 =	vadd.f32 v12, v11  }
0x5d: {  	v12 =	vld [tilespmem:s22+$0x1100]  }
0x5e: {  	v11 =	vadd.f32 v13, v11  }
0x5f: {  	v13 =	vld [tilespmem:s22+$0x1180]  }
0x60: {  	v11 =	vadd.f32 v14, v11  }
0x61: {  	v14 =	vld [tilespmem:s22+$0x1200]  }
0x62: {  	v11 =	vadd.f32 v12, v11  }
0x63: {  	v12 =	vld [tilespmem:s22+$0x1280]  }
0x64: {  	v11 =	vadd.f32 v13, v11  }
0x65: {  	v13 =	vld [tilespmem:s22+$0x1300]  }
0x66: {  	v11 =	vadd.f32 v14, v11  }
0x67: {  	v14 =	vld [tilespmem:s22+$0x1380]  }
0x68: {  	v11 =	vadd.f32 v12, v11;
	_ =	sdelay $0x1  }
.Ltmp0:
0x69: {  	v11 =	vadd.f32 v13, v11;
	(pc) =	sbr.rel @p0 .LBB2_2-.Ltmp0, $4  }
0x6a: {  	_ = 	snop  }
0x6b: {  	s23 =	sadd.s32 $0x80, s23;
	v11 =	vadd.f32 v14, v11  }
0x6c: {  	s21 =	sadd.s32 $0x10, s21;
	s25 =	sand.u32 $0xC00, s23;
	s22 =	sand.u32 $0x70, s24  }
0x6d: {  	s24 =	sadd.s32 $0x10, s24;
	s22 =	sor.u32 s22, s25;
	[tilespmem:s21+$0x0] =	vst v11  }
0x6e: {  	v11 =	vld [tilespmem:s22+$0x80]  }
0x6f: {  	v12 =	vld [tilespmem:s22+$0x0];
	_ =	sdelay $0x1  }
0x70: {  	v13 =	vld [tilespmem:s22+$0x100];
	_ =	sdelay $0x1  }
0x71: {  	v14 =	vld [tilespmem:s22+$0x180]  }
0x72: {  	v11 =	vadd.f32 v11, v12  }
0x73: {  	v12 =	vld [tilespmem:s22+$0x200]  }
0x74: {  	v11 =	vadd.f32 v13, v11  }
0x75: {  	v13 =	vld [tilespmem:s22+$0x280]  }
0x76: {  	v11 =	vadd.f32 v14, v11  }
0x77: {  	v14 =	vld [tilespmem:s22+$0x300]  }
0x78: {  	v11 =	vadd.f32 v12, v11  }
0x79: {  	v12 =	vld [tilespmem:s22+$0x380]  }
0x7a: {  	v11 =	vadd.f32 v13, v11  }
0x7b: {  	v13 =	vld [tilespmem:s22+$0x1000]  }
0x7c: {  	v11 =	vadd.f32 v14, v11  }
0x7d: {  	v14 =	vld [tilespmem:s22+$0x1080]  }
0x7e: {  	v11 =	vadd.f32 v12, v11  }
0x7f: {  	v12 =	vld [tilespmem:s22+$0x1100]  }
0x80: {  	v11 =	vadd.f32 v13, v11  }
0x81: {  	v13 =	vld [tilespmem:s22+$0x1180]  }
0x82: {  	v11 =	vadd.f32 v14, v11  }
0x83: {  	v14 =	vld [tilespmem:s22+$0x1200]  }
0x84: {  	v11 =	vadd.f32 v12, v11  }
0x85: {  	v12 =	vld [tilespmem:s22+$0x1280]  }
0x86: {  	v11 =	vadd.f32 v13, v11  }
0x87: {  	v13 =	vld [tilespmem:s22+$0x1300]  }
0x88: {  	v11 =	vadd.f32 v14, v11  }
0x89: {  	v14 =	vld [tilespmem:s22+$0x1380]  }
0x8a: {  	v11 =	vadd.f32 v12, v11  }
0x8b: {  	s31 =	simm.s32 $0x0  }
0x8c: {  	v12 =	vor.u32 s31, v0;
	v11 =	vadd.f32 v13, v11;
	_ =	sdelay $0x1  }
0x8d: {  	v11 =	vadd.f32 v14, v11  }
0x8e: {  	s21 =	sadd.s32 $0x10, s21  }
0x8f: {  	[tilespmem:s21+$0x0] =	vst v11  }
0x90: {  	v11 =	vimm.f32 $0.0e+00;
	s21 =	simm.s32 $0x1;
	v12 =	vld.idx.msk [tilespmem:v12+s12+$0x0], $0xffff  }
.LBB2_4:
0x91: {  	v13 =	vor.u32 s21, v0;
	p0 =	sne.s32 s21, $0xF;
	s21 =	sadd.s32 $0x1, s21  }
.Ltmp1:
0x92: {  	(pc) =	sbr.rel @p0 .LBB2_4-.Ltmp1, $2  }
0x93: {  	_ =	sdelay $0x2  }
0x94: {  	v11 =	vadd.f32 v12, v11;
	v12 =	vld.idx.msk [tilespmem:v13+s12+$0x0], $0xffff  }
0x95: {  	_ = 	snop  }
0x96: {  	s21 =	simm.s32 $0x100  }
0x97: {  	v13 =	vor.u32 s21, v0;
	_ =	sdelay $0x1  }
0x98: {  	v11 =	vadd.f32 v12, v11;
	_ =	sdelay $0x1  }
0x99: {  	[tilespmem:$0x4200] =	vst v11  }
0x9a: {  	s21 =	simm.s32 $0x101;
	v11 =	vimm.f32 $0.0e+00;
	v12 =	vld.idx.msk [tilespmem:v13+s12+$0x0], $0xffff  }
.LBB2_6:
0x9b: {  	v13 =	vor.u32 s21, v0;
	p0 =	sne.s32 s21, $0x10F;
	s21 =	sadd.s32 $0x1, s21  }
.Ltmp2:
0x9c: {  	(pc) =	sbr.rel @p0 .LBB2_6-.Ltmp2, $2  }
0x9d: {  	_ =	sdelay $0x2  }
0x9e: {  	v11 =	vadd.f32 v12, v11;
	v12 =	vld.idx.msk [tilespmem:v13+s12+$0x0], $0xffff  }
0x9f: {  	_ =	sdelay $0x3  }
0xa0: {  	v11 =	vadd.f32 v12, v11;
	_ =	sdelay $0x1  }
0xa1: {  	[tilespmem:$0x4210] =	vst v11  }
0xa2: {  	s21 =	simm.s32 $0x0;
	_ =	swait.ge [sflag:s13], $0x2000  }
0xa3: {  	s22 =	sand.u32 $0x70, s21;
	s23 =	sand.u32 $0xC00, s21;
	[sflag:s13] =	ssyncset.done $0x0  }
0xa4: {  	s22 =	sor.u32 s22, s23;
	[sflag:s13] =	ssyncadd.s32 $0xFFFFE000  }
0xa5: {  	v11 =	vld [tilespmem:s22+$0x2080]  }
0xa6: {  	v51 =	vld [tilespmem:s22+$0x2000];
	_ =	sdelay $0x1  }
0xa7: {  	v13 =	vld [tilespmem:s22+$0x2100];
	_ =	sdelay $0x1  }
0xa8: {  	v14 =	vld [tilespmem:s22+$0x2180]  }
0xa9: {  	v11 =	vadd.f32 v11, v51  }
0xaa: {  	v52 =	vld [tilespmem:s22+$0x2200]  }
0xab: {  	v11 =	vadd.f32 v13, v11  }
0xac: {  	v53 =	vld [tilespmem:s22+$0x2280]  }
0xad: {  	v11 =	vadd.f32 v14, v11  }
0xae: {  	v54 =	vld [tilespmem:s22+$0x2300]  }
0xaf: {  	v11 =	vadd.f32 v52, v11  }
0xb0: {  	v55 =	vld [tilespmem:s22+$0x2380]  }
0xb1: {  	v11 =	vadd.f32 v53, v11  }
0xb2: {  	v56 =	vld [tilespmem:s22+$0x3000]  }
0xb3: {  	v11 =	vadd.f32 v54, v11  }
0xb4: {  	v57 =	vld [tilespmem:s22+$0x3080]  }
0xb5: {  	v11 =	vadd.f32 v55, v11  }
0xb6: {  	v58 =	vld [tilespmem:s22+$0x3100]  }
0xb7: {  	v11 =	vadd.f32 v56, v11  }
0xb8: {  	v59 =	vld [tilespmem:s22+$0x3180]  }
0xb9: {  	v11 =	vadd.f32 v57, v11  }
0xba: {  	v60 =	vld [tilespmem:s22+$0x3200]  }
0xbb: {  	v11 =	vadd.f32 v58, v11  }
0xbc: {  	v61 =	vld [tilespmem:s22+$0x3280]  }
0xbd: {  	v11 =	vadd.f32 v59, v11  }
0xbe: {  	v62 =	vld [tilespmem:s22+$0x3300]  }
0xbf: {  	v11 =	vadd.f32 v60, v11  }
0xc0: {  	v63 =	vld [tilespmem:s22+$0x3380]  }
0xc1: {  	v11 =	vadd.f32 v61, v11;
	_ =	sdelay $0x1  }
0xc2: {  	v11 =	vadd.f32 v62, v11;
	_ =	sdelay $0x1  }
0xc3: {  	s31 =	simm.s32 $0x10;
	s24 =	simm.s32 $0x80;
	v11 =	vadd.f32 v63, v11  }
0xc4: {  	s25 =	sand.u32 $0xC00, s24;
	s23 =	sand.u32 $0x70, s31;
	s22 =	simm.s32 $0x4000  }
0xc5: {  	s23 =	sor.u32 s23, s25;
	s25 =	simm.s32 $0x20;
	[tilespmem:s22+$0x0] =	vst v11  }
.LBB2_8:
0xc6: {  	p0 =	sne.s32 s25, $0x1F0;
	v11 =	vld [tilespmem:s23+$0x2080]  }
0xc7: {  	v12 =	vld [tilespmem:s23+$0x2000];
	_ =	sdelay $0x1  }
0xc8: {  	v13 =	vld [tilespmem:s23+$0x2100];
	_ =	sdelay $0x1  }
0xc9: {  	v14 =	vld [tilespmem:s23+$0x2180]  }
0xca: {  	v11 =	vadd.f32 v11, v12  }
0xcb: {  	v12 =	vld [tilespmem:s23+$0x2200]  }
0xcc: {  	v11 =	vadd.f32 v13, v11  }
0xcd: {  	v13 =	vld [tilespmem:s23+$0x2280]  }
0xce: {  	v11 =	vadd.f32 v14, v11  }
0xcf: {  	v14 =	vld [tilespmem:s23+$0x2300]  }
0xd0: {  	v11 =	vadd.f32 v12, v11  }
0xd1: {  	v12 =	vld [tilespmem:s23+$0x2380]  }
0xd2: {  	v11 =	vadd.f32 v13, v11  }
0xd3: {  	v13 =	vld [tilespmem:s23+$0x3000]  }
0xd4: {  	v11 =	vadd.f32 v14, v11  }
0xd5: {  	v14 =	vld [tilespmem:s23+$0x3080]  }
0xd6: {  	v11 =	vadd.f32 v12, v11  }
0xd7: {  	v12 =	vld [tilespmem:s23+$0x3100]  }
0xd8: {  	v11 =	vadd.f32 v13, v11  }
0xd9: {  	v13 =	vld [tilespmem:s23+$0x3180]  }
0xda: {  	v11 =	vadd.f32 v14, v11  }
0xdb: {  	v14 =	vld [tilespmem:s23+$0x3200]  }
0xdc: {  	v11 =	vadd.f32 v12, v11  }
0xdd: {  	v12 =	vld [tilespmem:s23+$0x3280]  }
0xde: {  	v11 =	vadd.f32 v13, v11  }
0xdf: {  	v13 =	vld [tilespmem:s23+$0x3300]  }
0xe0: {  	v11 =	vadd.f32 v14, v11  }
0xe1: {  	v14 =	vld [tilespmem:s23+$0x3380]  }
0xe2: {  	v11 =	vadd.f32 v12, v11;
	_ =	sdelay $0x1  }
.Ltmp3:
0xe3: {  	v11 =	vadd.f32 v13, v11;
	(pc) =	sbr.rel @p0 .LBB2_8-.Ltmp3, $4  }
0xe4: {  	_ = 	snop  }
0xe5: {  	s24 =	sadd.s32 $0x80, s24;
	v11 =	vadd.f32 v14, v11  }
0xe6: {  	s22 =	sadd.s32 $0x10, s22;
	s26 =	sand.u32 $0xC00, s24;
	s23 =	sand.u32 $0x70, s25  }
0xe7: {  	s25 =	sadd.s32 $0x10, s25;
	s23 =	sor.u32 s23, s26;
	[tilespmem:s22+$0x0] =	vst v11  }
0xe8: {  	v11 =	vld [tilespmem:s23+$0x2080]  }
0xe9: {  	v12 =	vld [tilespmem:s23+$0x2000];
	_ =	sdelay $0x1  }
0xea: {  	v13 =	vld [tilespmem:s23+$0x2100];
	_ =	sdelay $0x1  }
0xeb: {  	v14 =	vld [tilespmem:s23+$0x2180]  }
0xec: {  	v11 =	vadd.f32 v11, v12  }
0xed: {  	v12 =	vld [tilespmem:s23+$0x2200]  }
0xee: {  	v11 =	vadd.f32 v13, v11  }
0xef: {  	v13 =	vld [tilespmem:s23+$0x2280]  }
0xf0: {  	v11 =	vadd.f32 v14, v11  }
0xf1: {  	v14 =	vld [tilespmem:s23+$0x2300]  }
0xf2: {  	v11 =	vadd.f32 v12, v11  }
0xf3: {  	v12 =	vld [tilespmem:s23+$0x2380]  }
0xf4: {  	v11 =	vadd.f32 v13, v11  }
0xf5: {  	v13 =	vld [tilespmem:s23+$0x3000]  }
0xf6: {  	v11 =	vadd.f32 v14, v11  }
0xf7: {  	v14 =	vld [tilespmem:s23+$0x3080]  }
0xf8: {  	v11 =	vadd.f32 v12, v11  }
0xf9: {  	v12 =	vld [tilespmem:s23+$0x3100]  }
0xfa: {  	v11 =	vadd.f32 v13, v11  }
0xfb: {  	v13 =	vld [tilespmem:s23+$0x3180]  }
0xfc: {  	v11 =	vadd.f32 v14, v11  }
0xfd: {  	v14 =	vld [tilespmem:s23+$0x3200]  }
0xfe: {  	v11 =	vadd.f32 v12, v11  }
0xff: {  	v12 =	vld [tilespmem:s23+$0x3280]  }
0x100: {  	v11 =	vadd.f32 v13, v11  }
0x101: {  	v13 =	vld [tilespmem:s23+$0x3300]  }
0x102: {  	v11 =	vadd.f32 v14, v11  }
0x103: {  	v14 =	vld [tilespmem:s23+$0x3380]  }
0x104: {  	v11 =	vadd.f32 v12, v11;
	_ =	sdelay $0x1  }
0x105: {  	v12 =	vor.u32 s21, v0;
	v11 =	vadd.f32 v13, v11;
	_ =	sdelay $0x1  }
0x106: {  	v11 =	vadd.f32 v14, v11  }
0x107: {  	s31 =	sadd.s32 $0x10, s22  }
0x108: {  	[tilespmem:s31+$0x0] =	vst v11  }
0x109: {  	s21 =	simm.s32 $0x1;
	v11 =	vimm.f32 $0.0e+00;
	v12 =	vld.idx.msk [tilespmem:v12+s12+$0x0], $0xffff  }
.LBB2_10:
0x10a: {  	v13 =	vor.u32 s21, v0;
	p0 =	sne.s32 s21, $0xF;
	s21 =	sadd.s32 $0x1, s21  }
.Ltmp4:
0x10b: {  	(pc) =	sbr.rel @p0 .LBB2_10-.Ltmp4, $2  }
0x10c: {  	_ =	sdelay $0x2  }
0x10d: {  	v11 =	vadd.f32 v12, v11;
	v12 =	vld.idx.msk [tilespmem:v13+s12+$0x0], $0xffff  }
0x10e: {  	_ = 	snop  }
0x10f: {  	s21 =	simm.s32 $0x100  }
0x110: {  	v13 =	vor.u32 s21, v0;
	_ =	sdelay $0x1  }
0x111: {  	v11 =	vadd.f32 v12, v11;
	_ =	sdelay $0x1  }
0x112: {  	[tilespmem:$0x4220] =	vst v11  }
0x113: {  	s21 =	simm.s32 $0x101;
	v11 =	vimm.f32 $0.0e+00;
	v12 =	vld.idx.msk [tilespmem:v13+s12+$0x0], $0xffff  }
.LBB2_12:
0x114: {  	v13 =	vor.u32 s21, v0;
	p0 =	sne.s32 s21, $0x10F;
	s21 =	sadd.s32 $0x1, s21  }
.Ltmp5:
0x115: {  	(pc) =	sbr.rel @p0 .LBB2_12-.Ltmp5, $2  }
0x116: {  	_ =	sdelay $0x2  }
0x117: {  	v11 =	vadd.f32 v12, v11;
	v12 =	vld.idx.msk [tilespmem:v13+s12+$0x0], $0xffff  }
0x118: {  	_ =	sdelay $0x3  }
0x119: {  	v11 =	vadd.f32 v12, v11;
	_ =	sdelay $0x1  }
0x11a: {  	[tilespmem:$0x4230] =	vst v11  }
0x11b: {  	[spmem:s6] =	stream.linear.scatter [tilespmem:s14], [sflag:$0x3], $0x40, $0x38;
	[tilespmem:$0x4FC0] =	vst v63  }
0x11c: {  	_ =	swait.ge [sflag:s15], $0x40  }
0x11d: {  	[sflag:s15] =	ssyncset.done $0x0  }
0x11e: {  	[sflag:s15] =	ssyncadd.s32 $0xFFFFFFC0  }
0x11f: {  	s21 =	simm.s32 $0x4280;
	[bflag:$0x0] =	sbarrier.arrive $0xFFFF  }
0x120: {  	[tilespmem:s21], [sflag:$0x3] =	stream.linear.gather [spmem:s1], $0x400, $0x38;
	[tilespmem:$0x4FC0] =	vst v63  }
0x121: {  	_ =	swait.ge [sflag:s15], $0x400  }
0x122: {  	[sflag:s15] =	ssyncset.done $0x0  }
0x123: {  	[sflag:s15] =	ssyncadd.s32 $0xFFFFFC00  }
0x124: {  	v11 =	vld [tilespmem:s21+$0x0]  }
0x125: {  	s22 =	simm.s32 $0x0  }
0x126: {  	v63 =	vmov s22  }
0x127: {  	v13 =	vand.u32 $0x1, v63;
	v12 =	vadd.s32 $0xFFFFFFF0, v63  }
0x128: {  	vm0 =	veq.s32 v13, $0x0;
	vm1 =	vlt.u32 v12, $0x20  }
0x129: {  	vm0 =	vmand vm0, vm1;
	vm15 =	vgt.f32 v11, $0.0e+00  }
0x12a: {  	vm0 =	vmand vm0, vm15  }
0x12b: {  	s23 =	simm.s32 $0x4680;
	v11 =	vsel vm0, $0x3F800000, v1  }
0x12c: {  	s24 =	simm.s32 $0x4290;
	[tilespmem:s23+$0x0] =	vst v11  }
0x12d: {  	s25 =	simm.s32 $0x2;
	s26 =	simm.s32 $0x1;
	s21 =	simm.s32 $0x1;
	v11 =	vld [tilespmem:s24+$0x0]  }
.LBB2_14:
0x12e: {  	p0 =	sne.s32 s25, $0x3F  }
0x12f: {  	v12 =	vmov s26;
	s26 =	smov.u32 s25  }
0x130: {  	v13 =	vand.u32 $0x1, v12;
	v12 =	vadd.s32 $0xFFFFFFF0, v12  }
0x131: {  	vm0 =	veq.s32 v13, $0x0;
	vm1 =	vlt.u32 v12, $0x20  }
.Ltmp6:
0x132: {  	vm0 =	vmand vm0, vm1;
	vm1 =	vgt.f32 v11, $0.0e+00;
	(pc) =	sbr.rel @p0 .LBB2_14-.Ltmp6, $4  }
0x133: {  	vm0 =	vmand vm0, vm1  }
0x134: {  	s23 =	sadd.s32 $0x10, s23;
	v11 =	vsel vm0, $0x3F800000, v1  }
0x135: {  	s24 =	sadd.s32 $0x10, s24;
	[tilespmem:s23+$0x0] =	vst v11  }
0x136: {  	s25 =	sadd.s32 $0x1, s25;
	v11 =	vld [tilespmem:s24+$0x0]  }
0x137: {  	_ = 	snop  }
0x138: {  	v12 =	vmov s26  }
0x139: {  	v13 =	vand.u32 $0x1, v12;
	v12 =	vadd.s32 $0xFFFFFFF0, v12  }
0x13a: {  	vm0 =	veq.s32 v13, $0x0;
	vm1 =	vlt.u32 v12, $0x20;
	v12 =	vor.u32 s22, v2  }
0x13b: {  	vm0 =	vmand vm0, vm1;
	vm15 =	vgt.f32 v11, $0.0e+00  }
0x13c: {  	vm0 =	vmand vm0, vm15  }
0x13d: {  	s31 =	sadd.s32 $0x10, s23;
	v11 =	vsel vm0, $0x3F800000, v1  }
0x13e: {  	[tilespmem:s31+$0x0] =	vst v11  }
0x13f: {  	v11 =	vimm.f32 $0.0e+00;
	v12 =	vld.idx.msk [tilespmem:v12+s16+$0x0], $0xffff  }
.LBB2_16:
0x140: {  	v13 =	vor.u32 s21, v2;
	p0 =	sne.s32 s21, $0xF;
	s21 =	sadd.s32 $0x1, s21  }
.Ltmp7:
0x141: {  	(pc) =	sbr.rel @p0 .LBB2_16-.Ltmp7, $2  }
0x142: {  	_ =	sdelay $0x2  }
0x143: {  	v11 =	vadd.f32 v12, v11;
	v12 =	vld.idx.msk [tilespmem:v13+s16+$0x0], $0xffff  }
0x144: {  	_ =	sdelay $0x3  }
0x145: {  	v11 =	vadd.f32 v12, v11;
	_ =	sdelay $0x1  }
0x146: {  	(xrf2) =	vadd.scan.msk.f32 $0xffff, v11;
	_ =	sdelay $0x9  }
0x147: {  	v12, _, _ =	vpop (xrf2)  }
0x148: {  	v11 =	vsub.f32 v12, v11  }
0x149: {  	v13 =	vperm.xlane v12, v3  }
0x14a: {  	[tilespmem:$0x4B00] =	vst v11  }
0x14b: {  	[tilespmem:$0x4B10] =	vst v13  }
0x14c: {  	v11 =	vld.msk [tilespmem:s17+$0x0], $0xffff;
	_ =	sdelay $0x4  }
0x14d: {  	v11 =	vsub.f32 v4, v11;
	_ =	sdelay $0x1  }
0x14e: {  	[tilespmem:$0x4A80] =	vst v11  }
0x14f: {  	v11 =	vld.idx.msk [tilespmem:v5+s17+$0x0], $0xffff;
	_ =	sdelay $0x4  }
0x150: {  	v11 =	vsub.f32 v6, v11;
	_ =	sdelay $0x1  }
0x151: {  	[tilespmem:$0x4A90] =	vst v11  }
0x152: {  	v11 =	vld.idx.msk [tilespmem:v7+s17+$0x0], $0xffff;
	_ =	sdelay $0x4  }
0x153: {  	v11 =	vsub.f32 v8, v11;
	_ =	sdelay $0x1  }
0x154: {  	[tilespmem:$0x4AA0] =	vst v11  }
0x155: {  	v11 =	vld.idx.msk [tilespmem:v9+s17+$0x0], $0xffff;
	_ =	sdelay $0x4  }
0x156: {  	v11 =	vsub.f32 v10, v11;
	_ =	sdelay $0x1  }
0x157: {  	s21 =	simm.s32 $0x4680;
	[tilespmem:$0x4AB0] =	vst v11  }
0x158: {  	v13 =	vld [tilespmem:s21+$0x0]  }
0x159: {  	(v2sf) =	vpush v12, $0xF;
	_ =	sdelay $0x3  }
0x15a: {  	v12 =	vsub.f32 $1.000000000e+00, v13;
	_ =	sdelay $0x1  }
0x15b: {  	s21 =	simm.s32 $0x0;
	(xrf2) =	vadd.scan.msk.f32 $0xffff, v12  }
0x15c: {  	v11 =	vmov s21;
	_ =	sdelay $0x4  }
0x15d: {  	v11 =	vld.idx.msk [tilespmem:v11+s18+$0x0], $0xffff;
	_ =	sdelay $0x2  }
0x15e: {  	s22 =	spop (v2sf)  }
0x15f: {  	s22 =	ssub.f32 $2.560000000e+02, s22;
	v14, _, _ =	vpop (xrf2)  }
0x160: {  	v14 =	vadd.f32 v14, v11  }
0x161: {  	v11 =	vmov s22  }
0x162: {  	vm0 =	vle.f32 v14, v11  }
0x163: {  	v14 =	vsel vm0, $0x3F800000, v1  }
0x164: {  	v12 =	vmul.f32 v14, v12;
	_ =	sdelay $0x1  }
0x165: {  	v12 =	vadd.f32 v12, v13  }
0x166: {  	s22 =	simm.s32 $0x4B80  }
0x167: {  	s24 =	simm.s32 $0x4690;
	[tilespmem:s22+$0x0] =	vst v12  }
0x168: {  	s23 =	simm.s32 $0x1;
	s25 =	simm.s32 $0x2;
	v12 =	vld [tilespmem:s24+$0x0]  }
.LBB2_18:
0x169: {  	p0 =	sne.s32 s25, $0x3F;
	_ =	sdelay $0x3  }
0x16a: {  	v13 =	vsub.f32 $1.000000000e+00, v12;
	_ =	sdelay $0x1  }
0x16b: {  	v14 =	vmov s23;
	s23 =	smov.u32 s25;
	(xrf2) =	vadd.scan.msk.f32 $0xffff, v13;
	_ =	sdelay $0x4  }
0x16c: {  	v14 =	vld.idx.msk [tilespmem:v14+s18+$0x0], $0xffff;
	_ =	sdelay $0x4  }
0x16d: {  	v15, _, _ =	vpop (xrf2)  }
0x16e: {  	v14 =	vadd.f32 v15, v14;
	_ =	sdelay $0x1  }
0x16f: {  	vm0 =	vle.f32 v14, v11  }
0x170: {  	v14 =	vsel vm0, $0x3F800000, v1  }
0x171: {  	v13 =	vmul.f32 v14, v13  }
.Ltmp8:
0x172: {  	(pc) =	sbr.rel @p0 .LBB2_18-.Ltmp8, $4  }
0x173: {  	v12 =	vadd.f32 v13, v12  }
0x174: {  	s22 =	sadd.s32 $0x10, s22  }
0x175: {  	s24 =	sadd.s32 $0x10, s24;
	[tilespmem:s22+$0x0] =	vst v12  }
0x176: {  	s25 =	sadd.s32 $0x1, s25;
	v12 =	vld [tilespmem:s24+$0x0]  }
0x177: {  	_ =	sdelay $0x3  }
0x178: {  	v13 =	vsub.f32 $1.000000000e+00, v12;
	_ =	sdelay $0x1  }
0x179: {  	(xrf2) =	vadd.scan.msk.f32 $0xffff, v13  }
0x17a: {  	v14 =	vmov s23;
	_ =	sdelay $0x4  }
0x17b: {  	v14 =	vld.idx.msk [tilespmem:v14+s18+$0x0], $0xffff;
	_ =	sdelay $0x3  }
0x17c: {  	v15, _, _ =	vpop (xrf2)  }
0x17d: {  	v14 =	vadd.f32 v15, v14;
	_ =	sdelay $0x1  }
0x17e: {  	vm0 =	vle.f32 v14, v11  }
0x17f: {  	v11 =	vsel vm0, $0x3F800000, v1  }
0x180: {  	v63 =	vmov s9;
	v11 =	vmul.f32 v11, v13;
	_ =	sdelay $0x1  }
0x181: {  	v11 =	vadd.f32 v11, v12  }
0x182: {  	s22 =	sadd.s32 $0x10, s22  }
0x183: {  	[tilespmem:s22+$0x0] =	vst v11  }
0x184: {  	v11 =	vld.idx.msk [tilespmem:v63+s19+$0x0], $0xffff;
	_ =	sdelay $0x1  }
0x185: {  	s23 =	simm.s32 $0x10;
	s24 =	smov.u32 s9;
	s22 =	simm.s32 $0x0  }
.LBB2_20:
0x186: {  	p0 =	sne.s32 s23, $0x1F0;
	s25 =	sand.u32 $0x70, s21;
	s26 =	sand.u32 $0xC00, s22  }
0x187: {  	s25 =	sor.u32 s25, s26  }
0x188: {  	[tilespmem:s25+$0x0] =	vst v11  }
0x189: {  	[tilespmem:s25+$0x80] =	vst v11  }
0x18a: {  	[tilespmem:s25+$0x100] =	vst v11  }
0x18b: {  	[tilespmem:s25+$0x180] =	vst v11  }
0x18c: {  	[tilespmem:s25+$0x200] =	vst v11  }
0x18d: {  	s26 =	sor.u32 s22, s21;
	s21 =	smov.u32 s23;
	[tilespmem:s25+$0x280] =	vst v11  }
0x18e: {  	s26 =	sor.u32 $0x380, s26;
	[tilespmem:s25+$0x300] =	vst v11  }
0x18f: {  	[tilespmem:s26+$0x0] =	vst v11  }
0x190: {  	[tilespmem:s25+$0x1000] =	vst v11  }
0x191: {  	[tilespmem:s25+$0x1080] =	vst v11  }
0x192: {  	s24 =	sadd.s32 $0x1, s24;
	[tilespmem:s25+$0x1100] =	vst v11  }
0x193: {  	v12 =	vmov s24;
	[tilespmem:s25+$0x1180] =	vst v11  }
0x194: {  	[tilespmem:s25+$0x1200] =	vst v11  }
0x195: {  	[tilespmem:s25+$0x1280] =	vst v11  }
0x196: {  	[tilespmem:s25+$0x1300] =	vst v11  }
.Ltmp9:
0x197: {  	[tilespmem:s25+$0x1380] =	vst v11;
	(pc) =	sbr.rel @p0 .LBB2_20-.Ltmp9, $2  }
0x198: {  	v11 =	vld.idx.msk [tilespmem:v12+s19+$0x0], $0xffff;
	_ =	sdelay $0x2  }
0x199: {  	s23 =	sadd.s32 $0x10, s23;
	s22 =	sadd.s32 $0x80, s22  }
0x19a: {  	s23 =	sand.u32 $0x70, s21;
	s24 =	sand.u32 $0xC00, s22  }
0x19b: {  	s23 =	sor.u32 s23, s24  }
0x19c: {  	[tilespmem:s23+$0x0] =	vst v11  }
0x19d: {  	[tilespmem:s23+$0x80] =	vst v11  }
0x19e: {  	[tilespmem:s23+$0x100] =	vst v11  }
0x19f: {  	[tilespmem:s23+$0x180] =	vst v11  }
0x1a0: {  	[tilespmem:s23+$0x200] =	vst v11  }
0x1a1: {  	s31 =	sor.u32 s22, s21;
	[tilespmem:s23+$0x280] =	vst v11  }
0x1a2: {  	s21 =	sor.u32 $0x380, s31;
	[tilespmem:s23+$0x300] =	vst v11  }
0x1a3: {  	[tilespmem:s21+$0x0] =	vst v11  }
0x1a4: {  	[tilespmem:s23+$0x1000] =	vst v11  }
0x1a5: {  	[tilespmem:s23+$0x1080] =	vst v11  }
0x1a6: {  	[tilespmem:s23+$0x1100] =	vst v11  }
0x1a7: {  	[tilespmem:s23+$0x1180] =	vst v11  }
0x1a8: {  	[tilespmem:s23+$0x1200] =	vst v11  }
0x1a9: {  	s20 =	sadd.s32 $0x1, s20;
	[tilespmem:s23+$0x1280] =	vst v11  }
0x1aa: {  	p0 =	sne.s32 s20, s8;
	[tilespmem:s23+$0x1300] =	vst v11  }
.Ltmp10:
0x1ab: {  	[tilespmem:s23+$0x1380] =	vst v11;
	(pc) =	sbr.rel @p0 .LBB2_1-.Ltmp10, $4  }
0x1ac: {  	[hbm4b:s7+s2] =	stream.linear.scatter [tilespmem:s2], [sflag:$0x3], $0x2000, $0x38;
	[tilespmem:$0x4FC0] =	vst v63  }
0x1ad: {  	_ =	swait.ge [sflag:s15], $0x2000  }
0x1ae: {  	[sflag:s15] =	ssyncset.done $0x0  }
0x1af: {  	[sflag:s15] =	ssyncadd.s32 $0xFFFFE000  }
0x1b0: {  	_ =	sfence.sel $0x180000  }
0x1b1: {  	[bflag:$0x0] =	sbarrier.arrive $0xFFFF  }
0x1b2: {  	p0 =	sne.s32 s3, $0x0;
	_ =	strace $0x90000047  }
0x1b3: {  	s0 =	sadd.s32 @!p0 $0x100000, s0;
	[bflag:$0x2] =	sbarrier.arrive $0xFFFF  }
0x1b4: {  	[sflag:s0] =	ssyncadd.tile.s32 @!p0 $0x1;
	_ =	shalt  }
.Lfunc_end2:
_tile_overlayer_lowered:
.L_overlay_start_2:
0x1b5: {  	(tag) =	ssettag $0x2  }
0x1b6: {  	s0 =	rddreg [dreg:$0x0];
	s2 =	stileid.u32  }
0x1b7: {  	s1 =	rddreg [dreg:$0x1];
	p0 =	sne.s32 s2, $0x0  }
0x1b8: {  	s3 =	rddreg [dreg:$0x2];
	[bflag:$0x3] =	sbarrier.arrive $0xFFFF;
	s2 =	simm.s32 @!p0 $0x1C03  }
0x1b9: {  	[timem:s3], [sflag:s2] =	dma.local @!p0 [hbm:s0], s1  }
0x1ba: {  	s0 =	simm.s32 @!p0 $0x3  }
0x1bb: {  	_ =	swait.ge @!p0 [sflag:s0], s1  }
0x1bc: {  	s1 =	ssub.s32 @!p0 $0x0, s1;
	[sflag:s0] =	ssyncset.done @!p0 $0x0  }
0x1bd: {  	[sflag:s0] =	ssyncadd.s32 @!p0 s1  }
0x1be: {  	[bflag:$0x3] =	sbarrier.arrive $0xFFFF  }
0x1bf: {  	_ =	shalt  }

</sc_bundles>
